<compile_context>
chip_gen: v7x
topology: tpu7x:2x2x1
jax: 0.10.2.dev20260603
libtpu: 0.0.44.dev20260713+nightly
codegen_flags: <defaults>
</compile_context>

<pallas_src>
import functools

import jax
import jax.numpy as jnp
import numpy as np
from jax import lax
from jax.experimental import pallas as pl
from jax.experimental.pallas import tpu as pltpu
from jax.experimental.pallas import tpu_sc as plsc

D = 128
N = 10000
E = 320000

_EC2 = np.float32(np.float32(1.602176634e-19) ** 2)
_DEN1 = np.float32(np.float32(4.0 * np.pi) * np.float32(8.8541878128e-12))
_1EM10 = np.float32(1e-10)


def _mish(x):
    return x * jnp.tanh(jax.nn.softplus(x))



_BN = 2000


def _node_mlp_body(x_ref, ws1, bs1, ws2, bs2, wd1, bd1, wd2, bd2,
                   os_ref, od_ref):
    x = x_ref[...]
    hs = _mish(jnp.dot(x, ws1[...], preferred_element_type=jnp.float32)
               + bs1[...])
    os_ref[...] = (jnp.dot(hs, ws2[...], preferred_element_type=jnp.float32)
                   + bs2[...])
    hd = _mish(jnp.dot(x, wd1[...], preferred_element_type=jnp.float32)
               + bd1[...])
    od_ref[...] = (jnp.dot(hd, wd2[...], preferred_element_type=jnp.float32)
                   + bd2[...])


def _node_mlps(node_feats, p):
    w_spec = pl.BlockSpec((D, D), lambda i: (0, 0))
    b_spec = pl.BlockSpec((1, D), lambda i: (0, 0))
    x_spec = pl.BlockSpec((_BN, D), lambda i: (i, 0))
    return pl.pallas_call(
        _node_mlp_body,
        grid=(N // _BN,),
        in_specs=[x_spec,
                  w_spec, b_spec, w_spec, b_spec,
                  w_spec, b_spec, w_spec, b_spec],
        out_specs=[x_spec, x_spec],
        out_shape=[jax.ShapeDtypeStruct((N, D), jnp.float32)] * 2,
    )(node_feats,
      p["src_W1"], p["src_b1"].reshape(1, D), p["src_W2"], p["src_b2"].reshape(1, D),
      p["dst_W1"], p["dst_b1"].reshape(1, D), p["dst_W2"], p["dst_b2"].reshape(1, D))



_NC = 2
_NS = 16
_NW = _NC * _NS
_EPW = E // _NW
_GCH = 80
_GCHUNKS = _EPW // _GCH


def _sc_gather_body(hs_hbm, hd_hbm, src_hbm, dst_hbm, os_hbm, od_hbm,
                    si_v, di_v, rs_v, rd_v, sem_s, sem_d):
    wid = lax.axis_index("s") * _NC + lax.axis_index("c")
    base = wid * _EPW

    def chunk(i, carry):
        off = pl.multiple_of(base + i * _GCH, _GCH)
        pltpu.sync_copy(src_hbm.at[pl.ds(off, _GCH)], si_v)
        pltpu.sync_copy(dst_hbm.at[pl.ds(off, _GCH)], di_v)
        cs = pltpu.async_copy(hs_hbm.at[si_v], rs_v, sem_s)
        cd = pltpu.async_copy(hd_hbm.at[di_v], rd_v, sem_d)
        cs.wait()
        cd.wait()
        pltpu.sync_copy(rs_v, os_hbm.at[pl.ds(off, _GCH)])
        pltpu.sync_copy(rd_v, od_hbm.at[pl.ds(off, _GCH)])
        return carry

    lax.fori_loop(0, _GCHUNKS, chunk, 0)


def _sc_gather(h_src, h_dst, src, dst):
    mesh = plsc.VectorSubcoreMesh(core_axis_name="c", subcore_axis_name="s")
    f = pl.kernel(
        _sc_gather_body,
        mesh=mesh,
        out_type=[jax.ShapeDtypeStruct((E, D), jnp.float32)] * 2,
        scratch_types=[
            pltpu.VMEM((_GCH,), jnp.int32),
            pltpu.VMEM((_GCH,), jnp.int32),
            pltpu.VMEM((_GCH, D), jnp.float32),
            pltpu.VMEM((_GCH, D), jnp.float32),
            pltpu.SemaphoreType.DMA,
            pltpu.SemaphoreType.DMA,
        ],
    )
    return f(h_src, h_dst, src, dst)



_BE = 2000


def _edge_msg_body(ef_ref, hs_ref, hd_ref,
                   we1, be1, we2, be2, wm1, bm1, wm2, bm2,
                   m_ref):
    ef_in = ef_ref[...]
    h1 = _mish(jnp.dot(ef_in, we1[...], preferred_element_type=jnp.float32)
               + be1[...])
    ef = jnp.dot(h1, we2[...], preferred_element_type=jnp.float32) + be2[...]
    t = hs_ref[...] * hd_ref[...]
    hn = t * _EC2 / (_DEN1 * ef * _1EM10)
    h2 = _mish(jnp.dot(hn, wm1[...], preferred_element_type=jnp.float32)
               + bm1[...])
    m_ref[...] = (jnp.dot(h2, wm2[...], preferred_element_type=jnp.float32)
                  + bm2[...])


def _edge_messages(edge_feats, hs_g, hd_g, p):
    w_spec = pl.BlockSpec((D, D), lambda i: (0, 0))
    b_spec = pl.BlockSpec((1, D), lambda i: (0, 0))
    e_spec = pl.BlockSpec((_BE, D), lambda i: (i, 0))
    return pl.pallas_call(
        _edge_msg_body,
        grid=(E // _BE,),
        in_specs=[e_spec, e_spec, e_spec,
                  w_spec, b_spec, w_spec, b_spec,
                  w_spec, b_spec, w_spec, b_spec],
        out_specs=e_spec,
        out_shape=jax.ShapeDtypeStruct((E, D), jnp.float32),
    )(edge_feats, hs_g, hd_g,
      p["edge_W1"], p["edge_b1"].reshape(1, D), p["edge_W2"], p["edge_b2"].reshape(1, D),
      p["m_W1"], p["m_b1"].reshape(1, D), p["m_W2"], p["m_b2"].reshape(1, D))



_SCH = 80
_SCHUNKS = _EPW // _SCH
_NPAD = 10240
_RPT = _NPAD // _NS
_RCH = 128
_RCHUNKS = _RPT // _RCH


def _sc_scatter_body(m_hbm, dst_hbm, out_hbm, acc_sh, mv, iv, rowbuf):
    cid = lax.axis_index("c")
    sid = lax.axis_index("s")

    def zrow(i, carry):
        for j in range(D // 16):
            rowbuf[i, pl.ds(j * 16, 16)] = jnp.zeros((16,), jnp.float32)
        return carry

    lax.fori_loop(0, _RCH, zrow, 0)
    for j in range(_RCHUNKS):
        pltpu.sync_copy(rowbuf, acc_sh.at[pl.ds(sid * _RPT + j * _RCH, _RCH)])
    plsc.subcore_barrier()

    base = (cid * _NS + sid) * _EPW

    def chunk(i, carry):
        off = pl.multiple_of(base + i * _SCH, _SCH)
        pltpu.sync_copy(m_hbm.at[pl.ds(off, _SCH)], mv)
        pltpu.sync_copy(dst_hbm.at[pl.ds(off, _SCH)], iv)
        pltpu.sync_copy(mv, acc_sh.at[iv], add=True)
        return carry

    lax.fori_loop(0, _SCHUNKS, chunk, 0)
    plsc.subcore_barrier()

    for j in range(_RCHUNKS):
        r0 = sid * _RPT + j * _RCH
        pltpu.sync_copy(acc_sh.at[pl.ds(r0, _RCH)], rowbuf)
        pltpu.sync_copy(rowbuf, out_hbm.at[pl.ds(cid * _NPAD + r0, _RCH)])


def _sc_scatter(m, dst):
    mesh = plsc.VectorSubcoreMesh(core_axis_name="c", subcore_axis_name="s")
    f = pl.kernel(
        _sc_scatter_body,
        mesh=mesh,
        out_type=jax.ShapeDtypeStruct((2 * _NPAD, D), jnp.float32),
        scratch_types=[
            pltpu.VMEM_SHARED((_NPAD, D), jnp.float32),
            pltpu.VMEM((_SCH, D), jnp.float32),
            pltpu.VMEM((_SCH,), jnp.int32),
            pltpu.VMEM((_RCH, D), jnp.float32),
        ],
    )
    return f(m, dst)



def _final_body(x_ref, h0_ref, h1_ref, o_ref):
    o_ref[...] = jax.nn.softplus(x_ref[...] + (h0_ref[...] + h1_ref[...]))


def _final(node_feats, h2):
    x_spec = pl.BlockSpec((_BN, D), lambda i: (i, 0))
    return pl.pallas_call(
        _final_body,
        grid=(N // _BN,),
        in_specs=[x_spec, x_spec, x_spec],
        out_specs=x_spec,
        out_shape=jax.ShapeDtypeStruct((N, D), jnp.float32),
    )(node_feats, h2[:N], h2[_NPAD:_NPAD + N])


def kernel(node_feats, edge_index, edge_feats, params):
    src = edge_index[0].astype(jnp.int32)
    dst = edge_index[1].astype(jnp.int32)
    h_src, h_dst = _node_mlps(node_feats, params)
    hs_g, hd_g = _sc_gather(h_src, h_dst, src, dst)
    m = _edge_messages(edge_feats, hs_g, hd_g, params)
    h2 = _sc_scatter(m, dst)
    return _final(node_feats, h2)

# --- scband reference (transcript-rebuilt; emitter-appended) ---
"""Pipeline reference for scband-gnnconv-32117765440104 (READ-ONLY COPY).

The authoritative reference and input builder live on the scoring server;
editing this copy changes nothing except your own understanding.
"""

import jax, jax.numpy as jnp
import numpy as np

D = 128
N = 10000
E = 320000
E_CHARGE = 1.602176634e-19
EPS0 = 8.8541878128e-12


def _mish(x):
    return x * jnp.tanh(jax.nn.softplus(x))


def _mlp(x, W1, b1, W2, b2):
    h = x @ W1 + b1
    h = _mish(h)
    return h @ W2 + b2


def setup_inputs(seed: int = 0) -> dict:
    key = jax.random.key(seed)
    ks = jax.random.split(key, 24)
    node_feats = jax.random.normal(ks[0], (N, D), dtype=jnp.float32)
    edge_index = jax.random.randint(ks[1], (2, E), 0, N, dtype=jnp.int64)
    edge_feats = jax.random.uniform(ks[2], (E, D), dtype=jnp.float32)
    scale = 1.0 / np.sqrt(D)
    params = {}
    i = 3
    for name in ["src", "dst", "edge", "m"]:
        params[name + "_W1"] = jax.random.normal(ks[i], (D, D), dtype=jnp.float32) * scale; i += 1
        params[name + "_b1"] = jax.random.normal(ks[i], (D,), dtype=jnp.float32) * 0.01; i += 1
        params[name + "_W2"] = jax.random.normal(ks[i], (D, D), dtype=jnp.float32) * scale; i += 1
        params[name + "_b2"] = jax.random.normal(ks[i], (D,), dtype=jnp.float32) * 0.01; i += 1
    return {"node_feats": node_feats, "edge_index": edge_index, "edge_feats": edge_feats, "params": params}


def reference(node_feats, edge_index, edge_feats, params):
    p = params
    h_src = _mlp(node_feats, p["src_W1"], p["src_b1"], p["src_W2"], p["src_b2"])
    h_dst = _mlp(node_feats, p["dst_W1"], p["dst_b1"], p["dst_W2"], p["dst_b2"])
    ef = _mlp(edge_feats, p["edge_W1"], p["edge_b1"], p["edge_W2"], p["edge_b2"])
    src = edge_index[0]
    dst = edge_index[1]
    # apply_edges(fn.u_mul_v): per-edge product of src and dst node transforms (gather)
    h_nodes = h_src[src] * h_dst[dst]
    e_c = jnp.float32(E_CHARGE)
    eps0 = jnp.float32(EPS0)
    h_nodes = h_nodes * e_c ** 2 / (4.0 * jnp.pi * eps0 * ef * 1e-10)
    m = _mlp(h_nodes, p["m_W1"], p["m_b1"], p["m_W2"], p["m_b2"])
    # update_all(copy_e -> sum at dst): scatter-add of edge messages onto dst nodes
    h = jnp.zeros_like(node_feats).at[dst].add(m)
    out = jax.nn.softplus(node_feats + h)
    return out

if __name__ == "__main__":
    import jax
    _d = setup_inputs()
    print(jax.jit(kernel)(*tuple(_d.values())))

</pallas_src>

<mosaic_0001>
#map = affine_map<(d0, d1) -> (0, 0)>
#map1 = affine_map<(d0, d1) -> (0)>
module attributes {stable_mosaic.version = 14 : i64} {
  func.func @_sc_scatter_body(%arg0: i32, %arg1: i32, %arg2: memref<320000x128xf32, #tpu.memory_space<hbm>>, %arg3: memref<320000xi32, #tpu.memory_space<hbm>>, %arg4: memref<20480x128xf32, #tpu.memory_space<hbm>>, %arg5: memref<10240x128xf32, #tpu.memory_space<vmem_shared>>, %arg6: memref<80x128xf32, #tpu.memory_space<vmem>>, %arg7: memref<80xi32, #tpu.memory_space<vmem>>, %arg8: memref<128x128xf32, #tpu.memory_space<vmem>>) attributes {dimension_semantics = [#tpu.dimension_semantics<core_parallel>, #tpu.dimension_semantics<subcore_parallel>], iteration_bounds = array<i64: 2, 16>, scalar_prefetch = 0 : i64, scratch_operands = 4 : i64, tpu.core_type = #tpu.core_type<sc_vector_subcore>, window_params = [{transform_indices = #map}, {transform_indices = #map1}, {transform_indices = #map}]} {
    %scan3A = arith.constant 0 : i32
    %scan3A_0 = arith.constant 0 : i32
    %scan3A_1 = arith.constant 128 : i32
    %scan3A_2 = arith.addi %scan3A_0, %scan3A_1 : i32
    %scan3A_3 = arith.constant 1 : i32
    scf.for %scan3A_70 = %scan3A_0 to %scan3A_2 step %scan3A_3  : i32 {
      %broadcast_in_dim3A = arith.constant 0.000000e+00 : f32
      %broadcast_in_dim3A_71 = vector.broadcast %broadcast_in_dim3A : f32 to vector<16xf32>
      %swap3A = arith.index_cast %scan3A_70 : i32 to index
      %swap3A_72 = arith.constant 0 : index
      %swap3A_73 = tpu.vector_load %arg8[%swap3A, %swap3A_72] {strides = array<i32>} : memref<128x128xf32, #tpu.memory_space<vmem>>, vector<1x16xf32>,
      %swap3A_74 = vector.shape_cast %swap3A_73 : vector<1x16xf32> to vector<16xf32>
      %swap3A_75 = vector.shape_cast %broadcast_in_dim3A_71 : vector<16xf32> to vector<1x16xf32>
      tpu.vector_store %arg8[%swap3A, %swap3A_72], %swap3A_75 {strides = array<i32>} : memref<128x128xf32, #tpu.memory_space<vmem>>, vector<1x16xf32>,
      %broadcast_in_dim3A_76 = arith.constant 0.000000e+00 : f32
      %broadcast_in_dim3A_77 = vector.broadcast %broadcast_in_dim3A_76 : f32 to vector<16xf32>
      %swap3A_78 = arith.index_cast %scan3A_70 : i32 to index
      %swap3A_79 = arith.constant 16 : index
      %swap3A_80 = tpu.vector_load %arg8[%swap3A_78, %swap3A_79] {strides = array<i32>} : memref<128x128xf32, #tpu.memory_space<vmem>>, vector<1x16xf32>,
      %swap3A_81 = vector.shape_cast %swap3A_80 : vector<1x16xf32> to vector<16xf32>
      %swap3A_82 = vector.shape_cast %broadcast_in_dim3A_77 : vector<16xf32> to vector<1x16xf32>
      tpu.vector_store %arg8[%swap3A_78, %swap3A_79], %swap3A_82 {strides = array<i32>} : memref<128x128xf32, #tpu.memory_space<vmem>>, vector<1x16xf32>,
      %broadcast_in_dim3A_83 = arith.constant 0.000000e+00 : f32
      %broadcast_in_dim3A_84 = vector.broadcast %broadcast_in_dim3A_83 : f32 to vector<16xf32>
      %swap3A_85 = arith.index_cast %scan3A_70 : i32 to index
      %swap3A_86 = arith.constant 32 : index
      %swap3A_87 = tpu.vector_load %arg8[%swap3A_85, %swap3A_86] {strides = array<i32>} : memref<128x128xf32, #tpu.memory_space<vmem>>, vector<1x16xf32>,
      %swap3A_88 = vector.shape_cast %swap3A_87 : vector<1x16xf32> to vector<16xf32>
      %swap3A_89 = vector.shape_cast %broadcast_in_dim3A_84 : vector<16xf32> to vector<1x16xf32>
      tpu.vector_store %arg8[%swap3A_85, %swap3A_86], %swap3A_89 {strides = array<i32>} : memref<128x128xf32, #tpu.memory_space<vmem>>, vector<1x16xf32>,
      %broadcast_in_dim3A_90 = arith.constant 0.000000e+00 : f32
      %broadcast_in_dim3A_91 = vector.broadcast %broadcast_in_dim3A_90 : f32 to vector<16xf32>
      %swap3A_92 = arith.index_cast %scan3A_70 : i32 to index
      %swap3A_93 = arith.constant 48 : index
      %swap3A_94 = tpu.vector_load %arg8[%swap3A_92, %swap3A_93] {strides = array<i32>} : memref<128x128xf32, #tpu.memory_space<vmem>>, vector<1x16xf32>,
      %swap3A_95 = vector.shape_cast %swap3A_94 : vector<1x16xf32> to vector<16xf32>
      %swap3A_96 = vector.shape_cast %broadcast_in_dim3A_91 : vector<16xf32> to vector<1x16xf32>
      tpu.vector_store %arg8[%swap3A_92, %swap3A_93], %swap3A_96 {strides = array<i32>} : memref<128x128xf32, #tpu.memory_space<vmem>>, vector<1x16xf32>,
      %broadcast_in_dim3A_97 = arith.constant 0.000000e+00 : f32
      %broadcast_in_dim3A_98 = vector.broadcast %broadcast_in_dim3A_97 : f32 to vector<16xf32>
      %swap3A_99 = arith.index_cast %scan3A_70 : i32 to index
      %swap3A_100 = arith.constant 64 : index
      %swap3A_101 = tpu.vector_load %arg8[%swap3A_99, %swap3A_100] {strides = array<i32>} : memref<128x128xf32, #tpu.memory_space<vmem>>, vector<1x16xf32>,
      %swap3A_102 = vector.shape_cast %swap3A_101 : vector<1x16xf32> to vector<16xf32>
      %swap3A_103 = vector.shape_cast %broadcast_in_dim3A_98 : vector<16xf32> to vector<1x16xf32>
      tpu.vector_store %arg8[%swap3A_99, %swap3A_100], %swap3A_103 {strides = array<i32>} : memref<128x128xf32, #tpu.memory_space<vmem>>, vector<1x16xf32>,
      %broadcast_in_dim3A_104 = arith.constant 0.000000e+00 : f32
      %broadcast_in_dim3A_105 = vector.broadcast %broadcast_in_dim3A_104 : f32 to vector<16xf32>
      %swap3A_106 = arith.index_cast %scan3A_70 : i32 to index
      %swap3A_107 = arith.constant 80 : index
      %swap3A_108 = tpu.vector_load %arg8[%swap3A_106, %swap3A_107] {strides = array<i32>} : memref<128x128xf32, #tpu.memory_space<vmem>>, vector<1x16xf32>,
      %swap3A_109 = vector.shape_cast %swap3A_108 : vector<1x16xf32> to vector<16xf32>
      %swap3A_110 = vector.shape_cast %broadcast_in_dim3A_105 : vector<16xf32> to vector<1x16xf32>
      tpu.vector_store %arg8[%swap3A_106, %swap3A_107], %swap3A_110 {strides = array<i32>} : memref<128x128xf32, #tpu.memory_space<vmem>>, vector<1x16xf32>,
      %broadcast_in_dim3A_111 = arith.constant 0.000000e+00 : f32
      %broadcast_in_dim3A_112 = vector.broadcast %broadcast_in_dim3A_111 : f32 to vector<16xf32>
      %swap3A_113 = arith.index_cast %scan3A_70 : i32 to index
      %swap3A_114 = arith.constant 96 : index
      %swap3A_115 = tpu.vector_load %arg8[%swap3A_113, %swap3A_114] {strides = array<i32>} : memref<128x128xf32, #tpu.memory_space<vmem>>, vector<1x16xf32>,
      %swap3A_116 = vector.shape_cast %swap3A_115 : vector<1x16xf32> to vector<16xf32>
      %swap3A_117 = vector.shape_cast %broadcast_in_dim3A_112 : vector<16xf32> to vector<1x16xf32>
      tpu.vector_store %arg8[%swap3A_113, %swap3A_114], %swap3A_117 {strides = array<i32>} : memref<128x128xf32, #tpu.memory_space<vmem>>, vector<1x16xf32>,
      %broadcast_in_dim3A_118 = arith.constant 0.000000e+00 : f32
      %broadcast_in_dim3A_119 = vector.broadcast %broadcast_in_dim3A_118 : f32 to vector<16xf32>
      %swap3A_120 = arith.index_cast %scan3A_70 : i32 to index
      %swap3A_121 = arith.constant 112 : index
      %swap3A_122 = tpu.vector_load %arg8[%swap3A_120, %swap3A_121] {strides = array<i32>} : memref<128x128xf32, #tpu.memory_space<vmem>>, vector<1x16xf32>,
      %swap3A_123 = vector.shape_cast %swap3A_122 : vector<1x16xf32> to vector<16xf32>
      %swap3A_124 = vector.shape_cast %broadcast_in_dim3A_119 : vector<16xf32> to vector<1x16xf32>
      tpu.vector_store %arg8[%swap3A_120, %swap3A_121], %swap3A_124 {strides = array<i32>} : memref<128x128xf32, #tpu.memory_space<vmem>>, vector<1x16xf32>,
    }
    %scan3A_4 = arith.constant 128 : i32
    %mul3A = arith.constant 640 : i32
    %mul3A_5 = arith.muli %arg1, %mul3A : i32
    %add3A = arith.constant 0 : i32
    %add3A_6 = arith.addi %mul3A_5, %add3A : i32
    "tpu.region"() ({
      %run_scoped3A = tpu.sem_alloc : memref<!tpu.dma_semaphore, #tpu.memory_space<semaphore_mem>>
      %dma_start3A = arith.constant 0 : i32
      %dma_start3A_70 = tpu.memref_slice %arg5[%add3A_6, %dma_start3A] : memref<10240x128xf32, #tpu.memory_space<vmem_shared>> -> memref<128x128xf32, #tpu.memory_space<vmem_shared>>
      %dma_start3A_71 = arith.constant 0 : i32
      %dma_start3A_72 = tpu.memref_slice %arg5[%add3A_6, %dma_start3A_71] : memref<10240x128xf32, #tpu.memory_space<vmem_shared>> -> memref<128x128xf32, #tpu.memory_space<vmem_shared>>
      tpu.enqueue_dma source(%arg8 : memref<128x128xf32, #tpu.memory_space<vmem>>) target(%dma_start3A_72 : memref<128x128xf32, #tpu.memory_space<vmem_shared>>) target_semaphore(%run_scoped3A : memref<!tpu.dma_semaphore, #tpu.memory_space<semaphore_mem>>)
      %dma_wait3A = arith.constant 0 : i32
      %dma_wait3A_73 = tpu.memref_slice %arg5[%add3A_6, %dma_wait3A] : memref<10240x128xf32, #tpu.memory_space<vmem_shared>> -> memref<128x128xf32, #tpu.memory_space<vmem_shared>>
      %dma_wait3A_74 = arith.constant 0 : i32
      %dma_wait3A_75 = tpu.memref_slice %arg5[%add3A_6, %dma_wait3A_74] : memref<10240x128xf32, #tpu.memory_space<vmem_shared>> -> memref<128x128xf32, #tpu.memory_space<vmem_shared>>
      tpu.wait_dma2 semaphore(%run_scoped3A : memref<!tpu.dma_semaphore, #tpu.memory_space<semaphore_mem>>) src(%arg8 : memref<128x128xf32, #tpu.memory_space<vmem>>) dst(%dma_wait3A_75 : memref<128x128xf32, #tpu.memory_space<vmem_shared>>)
      tpu.yield
    }) : () -> ()
    %mul3A_7 = arith.constant 640 : i32
    %mul3A_8 = arith.muli %arg1, %mul3A_7 : i32
    %add3A_9 = arith.constant 128 : i32
    %add3A_10 = arith.addi %mul3A_8, %add3A_9 : i32
    "tpu.region"() ({
      %run_scoped3A = tpu.sem_alloc : memref<!tpu.dma_semaphore, #tpu.memory_space<semaphore_mem>>
      %dma_start3A = arith.constant 0 : i32
      %dma_start3A_70 = tpu.memref_slice %arg5[%add3A_10, %dma_start3A] : memref<10240x128xf32, #tpu.memory_space<vmem_shared>> -> memref<128x128xf32, #tpu.memory_space<vmem_shared>>
      %dma_start3A_71 = arith.constant 0 : i32
      %dma_start3A_72 = tpu.memref_slice %arg5[%add3A_10, %dma_start3A_71] : memref<10240x128xf32, #tpu.memory_space<vmem_shared>> -> memref<128x128xf32, #tpu.memory_space<vmem_shared>>
      tpu.enqueue_dma source(%arg8 : memref<128x128xf32, #tpu.memory_space<vmem>>) target(%dma_start3A_72 : memref<128x128xf32, #tpu.memory_space<vmem_shared>>) target_semaphore(%run_scoped3A : memref<!tpu.dma_semaphore, #tpu.memory_space<semaphore_mem>>)
      %dma_wait3A = arith.constant 0 : i32
      %dma_wait3A_73 = tpu.memref_slice %arg5[%add3A_10, %dma_wait3A] : memref<10240x128xf32, #tpu.memory_space<vmem_shared>> -> memref<128x128xf32, #tpu.memory_space<vmem_shared>>
      %dma_wait3A_74 = arith.constant 0 : i32
      %dma_wait3A_75 = tpu.memref_slice %arg5[%add3A_10, %dma_wait3A_74] : memref<10240x128xf32, #tpu.memory_space<vmem_shared>> -> memref<128x128xf32, #tpu.memory_space<vmem_shared>>
      tpu.wait_dma2 semaphore(%run_scoped3A : memref<!tpu.dma_semaphore, #tpu.memory_space<semaphore_mem>>) src(%arg8 : memref<128x128xf32, #tpu.memory_space<vmem>>) dst(%dma_wait3A_75 : memref<128x128xf32, #tpu.memory_space<vmem_shared>>)
      tpu.yield
    }) : () -> ()
    %mul3A_11 = arith.constant 640 : i32
    %mul3A_12 = arith.muli %arg1, %mul3A_11 : i32
    %add3A_13 = arith.constant 256 : i32
    %add3A_14 = arith.addi %mul3A_12, %add3A_13 : i32
    "tpu.region"() ({
      %run_scoped3A = tpu.sem_alloc : memref<!tpu.dma_semaphore, #tpu.memory_space<semaphore_mem>>
      %dma_start3A = arith.constant 0 : i32
      %dma_start3A_70 = tpu.memref_slice %arg5[%add3A_14, %dma_start3A] : memref<10240x128xf32, #tpu.memory_space<vmem_shared>> -> memref<128x128xf32, #tpu.memory_space<vmem_shared>>
      %dma_start3A_71 = arith.constant 0 : i32
      %dma_start3A_72 = tpu.memref_slice %arg5[%add3A_14, %dma_start3A_71] : memref<10240x128xf32, #tpu.memory_space<vmem_shared>> -> memref<128x128xf32, #tpu.memory_space<vmem_shared>>
      tpu.enqueue_dma source(%arg8 : memref<128x128xf32, #tpu.memory_space<vmem>>) target(%dma_start3A_72 : memref<128x128xf32, #tpu.memory_space<vmem_shared>>) target_semaphore(%run_scoped3A : memref<!tpu.dma_semaphore, #tpu.memory_space<semaphore_mem>>)
      %dma_wait3A = arith.constant 0 : i32
      %dma_wait3A_73 = tpu.memref_slice %arg5[%add3A_14, %dma_wait3A] : memref<10240x128xf32, #tpu.memory_space<vmem_shared>> -> memref<128x128xf32, #tpu.memory_space<vmem_shared>>
      %dma_wait3A_74 = arith.constant 0 : i32
      %dma_wait3A_75 = tpu.memref_slice %arg5[%add3A_14, %dma_wait3A_74] : memref<10240x128xf32, #tpu.memory_space<vmem_shared>> -> memref<128x128xf32, #tpu.memory_space<vmem_shared>>
      tpu.wait_dma2 semaphore(%run_scoped3A : memref<!tpu.dma_semaphore, #tpu.memory_space<semaphore_mem>>) src(%arg8 : memref<128x128xf32, #tpu.memory_space<vmem>>) dst(%dma_wait3A_75 : memref<128x128xf32, #tpu.memory_space<vmem_shared>>)
      tpu.yield
    }) : () -> ()
    %mul3A_15 = arith.constant 640 : i32
    %mul3A_16 = arith.muli %arg1, %mul3A_15 : i32
    %add3A_17 = arith.constant 384 : i32
    %add3A_18 = arith.addi %mul3A_16, %add3A_17 : i32
    "tpu.region"() ({
      %run_scoped3A = tpu.sem_alloc : memref<!tpu.dma_semaphore, #tpu.memory_space<semaphore_mem>>
      %dma_start3A = arith.constant 0 : i32
      %dma_start3A_70 = tpu.memref_slice %arg5[%add3A_18, %dma_start3A] : memref<10240x128xf32, #tpu.memory_space<vmem_shared>> -> memref<128x128xf32, #tpu.memory_space<vmem_shared>>
      %dma_start3A_71 = arith.constant 0 : i32
      %dma_start3A_72 = tpu.memref_slice %arg5[%add3A_18, %dma_start3A_71] : memref<10240x128xf32, #tpu.memory_space<vmem_shared>> -> memref<128x128xf32, #tpu.memory_space<vmem_shared>>
      tpu.enqueue_dma source(%arg8 : memref<128x128xf32, #tpu.memory_space<vmem>>) target(%dma_start3A_72 : memref<128x128xf32, #tpu.memory_space<vmem_shared>>) target_semaphore(%run_scoped3A : memref<!tpu.dma_semaphore, #tpu.memory_space<semaphore_mem>>)
      %dma_wait3A = arith.constant 0 : i32
      %dma_wait3A_73 = tpu.memref_slice %arg5[%add3A_18, %dma_wait3A] : memref<10240x128xf32, #tpu.memory_space<vmem_shared>> -> memref<128x128xf32, #tpu.memory_space<vmem_shared>>
      %dma_wait3A_74 = arith.constant 0 : i32
      %dma_wait3A_75 = tpu.memref_slice %arg5[%add3A_18, %dma_wait3A_74] : memref<10240x128xf32, #tpu.memory_space<vmem_shared>> -> memref<128x128xf32, #tpu.memory_space<vmem_shared>>
      tpu.wait_dma2 semaphore(%run_scoped3A : memref<!tpu.dma_semaphore, #tpu.memory_space<semaphore_mem>>) src(%arg8 : memref<128x128xf32, #tpu.memory_space<vmem>>) dst(%dma_wait3A_75 : memref<128x128xf32, #tpu.memory_space<vmem_shared>>)
      tpu.yield
    }) : () -> ()
    %mul3A_19 = arith.constant 640 : i32
    %mul3A_20 = arith.muli %arg1, %mul3A_19 : i32
    %add3A_21 = arith.constant 512 : i32
    %add3A_22 = arith.addi %mul3A_20, %add3A_21 : i32
    "tpu.region"() ({
      %run_scoped3A = tpu.sem_alloc : memref<!tpu.dma_semaphore, #tpu.memory_space<semaphore_mem>>
      %dma_start3A = arith.constant 0 : i32
      %dma_start3A_70 = tpu.memref_slice %arg5[%add3A_22, %dma_start3A] : memref<10240x128xf32, #tpu.memory_space<vmem_shared>> -> memref<128x128xf32, #tpu.memory_space<vmem_shared>>
      %dma_start3A_71 = arith.constant 0 : i32
      %dma_start3A_72 = tpu.memref_slice %arg5[%add3A_22, %dma_start3A_71] : memref<10240x128xf32, #tpu.memory_space<vmem_shared>> -> memref<128x128xf32, #tpu.memory_space<vmem_shared>>
      tpu.enqueue_dma source(%arg8 : memref<128x128xf32, #tpu.memory_space<vmem>>) target(%dma_start3A_72 : memref<128x128xf32, #tpu.memory_space<vmem_shared>>) target_semaphore(%run_scoped3A : memref<!tpu.dma_semaphore, #tpu.memory_space<semaphore_mem>>)
      %dma_wait3A = arith.constant 0 : i32
      %dma_wait3A_73 = tpu.memref_slice %arg5[%add3A_22, %dma_wait3A] : memref<10240x128xf32, #tpu.memory_space<vmem_shared>> -> memref<128x128xf32, #tpu.memory_space<vmem_shared>>
      %dma_wait3A_74 = arith.constant 0 : i32
      %dma_wait3A_75 = tpu.memref_slice %arg5[%add3A_22, %dma_wait3A_74] : memref<10240x128xf32, #tpu.memory_space<vmem_shared>> -> memref<128x128xf32, #tpu.memory_space<vmem_shared>>
      tpu.wait_dma2 semaphore(%run_scoped3A : memref<!tpu.dma_semaphore, #tpu.memory_space<semaphore_mem>>) src(%arg8 : memref<128x128xf32, #tpu.memory_space<vmem>>) dst(%dma_wait3A_75 : memref<128x128xf32, #tpu.memory_space<vmem_shared>>)
      tpu.yield
    }) : () -> ()
    %barrier3A = arith.constant 0 : index
    tpu.barrier barrier_id(%barrier3A)
    %mul3A_23 = arith.constant 16 : i32
    %mul3A_24 = arith.muli %arg0, %mul3A_23 : i32
    %add3A_25 = arith.addi %mul3A_24, %arg1 : i32
    %mul3A_26 = arith.constant 10000 : i32
    %mul3A_27 = arith.muli %add3A_25, %mul3A_26 : i32
    %scan3A_28 = arith.constant 0 : i32
    %scan3A_29 = arith.constant 0 : i32
    %scan3A_30 = arith.constant 125 : i32
    %scan3A_31 = arith.addi %scan3A_29, %scan3A_30 : i32
    %scan3A_32 = arith.constant 1 : i32
    scf.for %scan3A_70 = %scan3A_29 to %scan3A_31 step %scan3A_32  : i32 {
      %mul3A_71 = arith.constant 80 : i32
      %mul3A_72 = arith.muli %scan3A_70, %mul3A_71 : i32
      %add3A_73 = arith.addi %mul3A_27, %mul3A_72 : i32
      %multiple_of3A = tpu.assume_multiple %add3A_73, 80 : i32
      "tpu.region"() ({
        %run_scoped3A = tpu.sem_alloc : memref<!tpu.dma_semaphore, #tpu.memory_space<semaphore_mem>>
        %dma_start3A = arith.constant 0 : i32
        %dma_start3A_74 = tpu.memref_slice %arg2[%multiple_of3A, %dma_start3A] : memref<320000x128xf32, #tpu.memory_space<hbm>> -> memref<80x128xf32, #tpu.memory_space<hbm>>
        %dma_start3A_75 = arith.constant 0 : i32
        %dma_start3A_76 = tpu.memref_slice %arg2[%multiple_of3A, %dma_start3A_75] : memref<320000x128xf32, #tpu.memory_space<hbm>> -> memref<80x128xf32, #tpu.memory_space<hbm>>
        tpu.enqueue_dma source(%dma_start3A_76 : memref<80x128xf32, #tpu.memory_space<hbm>>) target(%arg6 : memref<80x128xf32, #tpu.memory_space<vmem>>) target_semaphore(%run_scoped3A : memref<!tpu.dma_semaphore, #tpu.memory_space<semaphore_mem>>)
        %dma_wait3A = arith.constant 0 : i32
        %dma_wait3A_77 = tpu.memref_slice %arg2[%multiple_of3A, %dma_wait3A] : memref<320000x128xf32, #tpu.memory_space<hbm>> -> memref<80x128xf32, #tpu.memory_space<hbm>>
        %dma_wait3A_78 = arith.constant 0 : i32
        %dma_wait3A_79 = tpu.memref_slice %arg2[%multiple_of3A, %dma_wait3A_78] : memref<320000x128xf32, #tpu.memory_space<hbm>> -> memref<80x128xf32, #tpu.memory_space<hbm>>
        tpu.wait_dma2 semaphore(%run_scoped3A : memref<!tpu.dma_semaphore, #tpu.memory_space<semaphore_mem>>) src(%dma_wait3A_79 : memref<80x128xf32, #tpu.memory_space<hbm>>) dst(%arg6 : memref<80x128xf32, #tpu.memory_space<vmem>>)
        tpu.yield
      }) : () -> ()
      "tpu.region"() ({
        %run_scoped3A = tpu.sem_alloc : memref<!tpu.dma_semaphore, #tpu.memory_space<semaphore_mem>>
        %dma_start3A = tpu.memref_slice %arg3[%multiple_of3A] : memref<320000xi32, #tpu.memory_space<hbm>> -> memref<80xi32, #tpu.memory_space<hbm>>
        %dma_start3A_74 = tpu.memref_slice %arg3[%multiple_of3A] : memref<320000xi32, #tpu.memory_space<hbm>> -> memref<80xi32, #tpu.memory_space<hbm>>
        tpu.enqueue_dma source(%dma_start3A_74 : memref<80xi32, #tpu.memory_space<hbm>>) target(%arg7 : memref<80xi32, #tpu.memory_space<vmem>>) target_semaphore(%run_scoped3A : memref<!tpu.dma_semaphore, #tpu.memory_space<semaphore_mem>>)
        %dma_wait3A = tpu.memref_slice %arg3[%multiple_of3A] : memref<320000xi32, #tpu.memory_space<hbm>> -> memref<80xi32, #tpu.memory_space<hbm>>
        %dma_wait3A_75 = tpu.memref_slice %arg3[%multiple_of3A] : memref<320000xi32, #tpu.memory_space<hbm>> -> memref<80xi32, #tpu.memory_space<hbm>>
        tpu.wait_dma2 semaphore(%run_scoped3A : memref<!tpu.dma_semaphore, #tpu.memory_space<semaphore_mem>>) src(%dma_wait3A_75 : memref<80xi32, #tpu.memory_space<hbm>>) dst(%arg7 : memref<80xi32, #tpu.memory_space<vmem>>)
        tpu.yield
      }) : () -> ()
      "tpu.region"() ({
        %run_scoped3A = tpu.sem_alloc : memref<!tpu.dma_semaphore, #tpu.memory_space<semaphore_mem>>
        %dma_start3A = arith.constant 0 : i32
        %dma_start3A_74 = arith.constant 0 : i32
        %dma_start3A_75 = tpu.memref_slice %arg5[%dma_start3A, %dma_start3A_74] : memref<10240x128xf32, #tpu.memory_space<vmem_shared>> -> memref<10240x128xf32, #tpu.memory_space<vmem_shared>>
        tpu.enqueue_indirect_dma source(%arg6 : memref<80x128xf32, #tpu.memory_space<vmem>>) target(%dma_start3A_75 : memref<10240x128xf32, #tpu.memory_space<vmem_shared>>) offsets(%arg7 : memref<80xi32, #tpu.memory_space<vmem>>) semaphore(%run_scoped3A : memref<!tpu.dma_semaphore, #tpu.memory_space<semaphore_mem>>) {add = true}
        %dma_wait3A = arith.constant 0 : i32
        %dma_wait3A_76 = arith.constant 0 : i32
        %dma_wait3A_77 = tpu.memref_slice %arg5[%dma_wait3A, %dma_wait3A_76] : memref<10240x128xf32, #tpu.memory_space<vmem_shared>> -> memref<10240x128xf32, #tpu.memory_space<vmem_shared>>
        tpu.wait_indirect_dma semaphore(%run_scoped3A : memref<!tpu.dma_semaphore, #tpu.memory_space<semaphore_mem>>) src(%arg6 : memref<80x128xf32, #tpu.memory_space<vmem>>) dst(%dma_wait3A_77 : memref<10240x128xf32, #tpu.memory_space<vmem_shared>>)
        tpu.yield
      }) : () -> ()
    }
    %scan3A_33 = arith.constant 125 : i32
    %barrier3A_34 = arith.constant 0 : index
    tpu.barrier barrier_id(%barrier3A_34)
    %mul3A_35 = arith.constant 640 : i32
    %mul3A_36 = arith.muli %arg1, %mul3A_35 : i32
    %add3A_37 = arith.constant 0 : i32
    %add3A_38 = arith.addi %mul3A_36, %add3A_37 : i32
    "tpu.region"() ({
      %run_scoped3A = tpu.sem_alloc : memref<!tpu.dma_semaphore, #tpu.memory_space<semaphore_mem>>
      %dma_start3A = arith.constant 0 : i32
      %dma_start3A_70 = tpu.memref_slice %arg5[%add3A_38, %dma_start3A] : memref<10240x128xf32, #tpu.memory_space<vmem_shared>> -> memref<128x128xf32, #tpu.memory_space<vmem_shared>>
      %dma_start3A_71 = arith.constant 0 : i32
      %dma_start3A_72 = tpu.memref_slice %arg5[%add3A_38, %dma_start3A_71] : memref<10240x128xf32, #tpu.memory_space<vmem_shared>> -> memref<128x128xf32, #tpu.memory_space<vmem_shared>>
      tpu.enqueue_dma source(%dma_start3A_72 : memref<128x128xf32, #tpu.memory_space<vmem_shared>>) target(%arg8 : memref<128x128xf32, #tpu.memory_space<vmem>>) target_semaphore(%run_scoped3A : memref<!tpu.dma_semaphore, #tpu.memory_space<semaphore_mem>>)
      %dma_wait3A = arith.constant 0 : i32
      %dma_wait3A_73 = tpu.memref_slice %arg5[%add3A_38, %dma_wait3A] : memref<10240x128xf32, #tpu.memory_space<vmem_shared>> -> memref<128x128xf32, #tpu.memory_space<vmem_shared>>
      %dma_wait3A_74 = arith.constant 0 : i32
      %dma_wait3A_75 = tpu.memref_slice %arg5[%add3A_38, %dma_wait3A_74] : memref<10240x128xf32, #tpu.memory_space<vmem_shared>> -> memref<128x128xf32, #tpu.memory_space<vmem_shared>>
      tpu.wait_dma2 semaphore(%run_scoped3A : memref<!tpu.dma_semaphore, #tpu.memory_space<semaphore_mem>>) src(%dma_wait3A_75 : memref<128x128xf32, #tpu.memory_space<vmem_shared>>) dst(%arg8 : memref<128x128xf32, #tpu.memory_space<vmem>>)
      tpu.yield
    }) : () -> ()
    %mul3A_39 = arith.constant 10240 : i32
    %mul3A_40 = arith.muli %arg0, %mul3A_39 : i32
    %add3A_41 = arith.addi %mul3A_40, %add3A_38 : i32
    "tpu.region"() ({
      %run_scoped3A = tpu.sem_alloc : memref<!tpu.dma_semaphore, #tpu.memory_space<semaphore_mem>>
      %dma_start3A = arith.constant 0 : i32
      %dma_start3A_70 = tpu.memref_slice %arg4[%add3A_41, %dma_start3A] : memref<20480x128xf32, #tpu.memory_space<hbm>> -> memref<128x128xf32, #tpu.memory_space<hbm>>
      %dma_start3A_71 = arith.constant 0 : i32
      %dma_start3A_72 = tpu.memref_slice %arg4[%add3A_41, %dma_start3A_71] : memref<20480x128xf32, #tpu.memory_space<hbm>> -> memref<128x128xf32, #tpu.memory_space<hbm>>
      tpu.enqueue_dma source(%arg8 : memref<128x128xf32, #tpu.memory_space<vmem>>) target(%dma_start3A_72 : memref<128x128xf32, #tpu.memory_space<hbm>>) target_semaphore(%run_scoped3A : memref<!tpu.dma_semaphore, #tpu.memory_space<semaphore_mem>>)
      %dma_wait3A = arith.constant 0 : i32
      %dma_wait3A_73 = tpu.memref_slice %arg4[%add3A_41, %dma_wait3A] : memref<20480x128xf32, #tpu.memory_space<hbm>> -> memref<128x128xf32, #tpu.memory_space<hbm>>
      %dma_wait3A_74 = arith.constant 0 : i32
      %dma_wait3A_75 = tpu.memref_slice %arg4[%add3A_41, %dma_wait3A_74] : memref<20480x128xf32, #tpu.memory_space<hbm>> -> memref<128x128xf32, #tpu.memory_space<hbm>>
      tpu.wait_dma2 semaphore(%run_scoped3A : memref<!tpu.dma_semaphore, #tpu.memory_space<semaphore_mem>>) src(%arg8 : memref<128x128xf32, #tpu.memory_space<vmem>>) dst(%dma_wait3A_75 : memref<128x128xf32, #tpu.memory_space<hbm>>)
      tpu.yield
    }) : () -> ()
    %mul3A_42 = arith.constant 640 : i32
    %mul3A_43 = arith.muli %arg1, %mul3A_42 : i32
    %add3A_44 = arith.constant 128 : i32
    %add3A_45 = arith.addi %mul3A_43, %add3A_44 : i32
    "tpu.region"() ({
      %run_scoped3A = tpu.sem_alloc : memref<!tpu.dma_semaphore, #tpu.memory_space<semaphore_mem>>
      %dma_start3A = arith.constant 0 : i32
      %dma_start3A_70 = tpu.memref_slice %arg5[%add3A_45, %dma_start3A] : memref<10240x128xf32, #tpu.memory_space<vmem_shared>> -> memref<128x128xf32, #tpu.memory_space<vmem_shared>>
      %dma_start3A_71 = arith.constant 0 : i32
      %dma_start3A_72 = tpu.memref_slice %arg5[%add3A_45, %dma_start3A_71] : memref<10240x128xf32, #tpu.memory_space<vmem_shared>> -> memref<128x128xf32, #tpu.memory_space<vmem_shared>>
      tpu.enqueue_dma source(%dma_start3A_72 : memref<128x128xf32, #tpu.memory_space<vmem_shared>>) target(%arg8 : memref<128x128xf32, #tpu.memory_space<vmem>>) target_semaphore(%run_scoped3A : memref<!tpu.dma_semaphore, #tpu.memory_space<semaphore_mem>>)
      %dma_wait3A = arith.constant 0 : i32
      %dma_wait3A_73 = tpu.memref_slice %arg5[%add3A_45, %dma_wait3A] : memref<10240x128xf32, #tpu.memory_space<vmem_shared>> -> memref<128x128xf32, #tpu.memory_space<vmem_shared>>
      %dma_wait3A_74 = arith.constant 0 : i32
      %dma_wait3A_75 = tpu.memref_slice %arg5[%add3A_45, %dma_wait3A_74] : memref<10240x128xf32, #tpu.memory_space<vmem_shared>> -> memref<128x128xf32, #tpu.memory_space<vmem_shared>>
      tpu.wait_dma2 semaphore(%run_scoped3A : memref<!tpu.dma_semaphore, #tpu.memory_space<semaphore_mem>>) src(%dma_wait3A_75 : memref<128x128xf32, #tpu.memory_space<vmem_shared>>) dst(%arg8 : memref<128x128xf32, #tpu.memory_space<vmem>>)
      tpu.yield
    }) : () -> ()
    %mul3A_46 = arith.constant 10240 : i32
    %mul3A_47 = arith.muli %arg0, %mul3A_46 : i32
    %add3A_48 = arith.addi %mul3A_47, %add3A_45 : i32
    "tpu.region"() ({
      %run_scoped3A = tpu.sem_alloc : memref<!tpu.dma_semaphore, #tpu.memory_space<semaphore_mem>>
      %dma_start3A = arith.constant 0 : i32
      %dma_start3A_70 = tpu.memref_slice %arg4[%add3A_48, %dma_start3A] : memref<20480x128xf32, #tpu.memory_space<hbm>> -> memref<128x128xf32, #tpu.memory_space<hbm>>
      %dma_start3A_71 = arith.constant 0 : i32
      %dma_start3A_72 = tpu.memref_slice %arg4[%add3A_48, %dma_start3A_71] : memref<20480x128xf32, #tpu.memory_space<hbm>> -> memref<128x128xf32, #tpu.memory_space<hbm>>
      tpu.enqueue_dma source(%arg8 : memref<128x128xf32, #tpu.memory_space<vmem>>) target(%dma_start3A_72 : memref<128x128xf32, #tpu.memory_space<hbm>>) target_semaphore(%run_scoped3A : memref<!tpu.dma_semaphore, #tpu.memory_space<semaphore_mem>>)
      %dma_wait3A = arith.constant 0 : i32
      %dma_wait3A_73 = tpu.memref_slice %arg4[%add3A_48, %dma_wait3A] : memref<20480x128xf32, #tpu.memory_space<hbm>> -> memref<128x128xf32, #tpu.memory_space<hbm>>
      %dma_wait3A_74 = arith.constant 0 : i32
      %dma_wait3A_75 = tpu.memref_slice %arg4[%add3A_48, %dma_wait3A_74] : memref<20480x128xf32, #tpu.memory_space<hbm>> -> memref<128x128xf32, #tpu.memory_space<hbm>>
      tpu.wait_dma2 semaphore(%run_scoped3A : memref<!tpu.dma_semaphore, #tpu.memory_space<semaphore_mem>>) src(%arg8 : memref<128x128xf32, #tpu.memory_space<vmem>>) dst(%dma_wait3A_75 : memref<128x128xf32, #tpu.memory_space<hbm>>)
      tpu.yield
    }) : () -> ()
    %mul3A_49 = arith.constant 640 : i32
    %mul3A_50 = arith.muli %arg1, %mul3A_49 : i32
    %add3A_51 = arith.constant 256 : i32
    %add3A_52 = arith.addi %mul3A_50, %add3A_51 : i32
    "tpu.region"() ({
      %run_scoped3A = tpu.sem_alloc : memref<!tpu.dma_semaphore, #tpu.memory_space<semaphore_mem>>
      %dma_start3A = arith.constant 0 : i32
      %dma_start3A_70 = tpu.memref_slice %arg5[%add3A_52, %dma_start3A] : memref<10240x128xf32, #tpu.memory_space<vmem_shared>> -> memref<128x128xf32, #tpu.memory_space<vmem_shared>>
      %dma_start3A_71 = arith.constant 0 : i32
      %dma_start3A_72 = tpu.memref_slice %arg5[%add3A_52, %dma_start3A_71] : memref<10240x128xf32, #tpu.memory_space<vmem_shared>> -> memref<128x128xf32, #tpu.memory_space<vmem_shared>>
      tpu.enqueue_dma source(%dma_start3A_72 : memref<128x128xf32, #tpu.memory_space<vmem_shared>>) target(%arg8 : memref<128x128xf32, #tpu.memory_space<vmem>>) target_semaphore(%run_scoped3A : memref<!tpu.dma_semaphore, #tpu.memory_space<semaphore_mem>>)
      %dma_wait3A = arith.constant 0 : i32
      %dma_wait3A_73 = tpu.memref_slice %arg5[%add3A_52, %dma_wait3A] : memref<10240x128xf32, #tpu.memory_space<vmem_shared>> -> memref<128x128xf32, #tpu.memory_space<vmem_shared>>
      %dma_wait3A_74 = arith.constant 0 : i32
      %dma_wait3A_75 = tpu.memref_slice %arg5[%add3A_52, %dma_wait3A_74] : memref<10240x128xf32, #tpu.memory_space<vmem_shared>> -> memref<128x128xf32, #tpu.memory_space<vmem_shared>>
      tpu.wait_dma2 semaphore(%run_scoped3A : memref<!tpu.dma_semaphore, #tpu.memory_space<semaphore_mem>>) src(%dma_wait3A_75 : memref<128x128xf32, #tpu.memory_space<vmem_shared>>) dst(%arg8 : memref<128x128xf32, #tpu.memory_space<vmem>>)
      tpu.yield
    }) : () -> ()
    %mul3A_53 = arith.constant 10240 : i32
    %mul3A_54 = arith.muli %arg0, %mul3A_53 : i32
    %add3A_55 = arith.addi %mul3A_54, %add3A_52 : i32
    "tpu.region"() ({
      %run_scoped3A = tpu.sem_alloc : memref<!tpu.dma_semaphore, #tpu.memory_space<semaphore_mem>>
      %dma_start3A = arith.constant 0 : i32
      %dma_start3A_70 = tpu.memref_slice %arg4[%add3A_55, %dma_start3A] : memref<20480x128xf32, #tpu.memory_space<hbm>> -> memref<128x128xf32, #tpu.memory_space<hbm>>
      %dma_start3A_71 = arith.constant 0 : i32
      %dma_start3A_72 = tpu.memref_slice %arg4[%add3A_55, %dma_start3A_71] : memref<20480x128xf32, #tpu.memory_space<hbm>> -> memref<128x128xf32, #tpu.memory_space<hbm>>
      tpu.enqueue_dma source(%arg8 : memref<128x128xf32, #tpu.memory_space<vmem>>) target(%dma_start3A_72 : memref<128x128xf32, #tpu.memory_space<hbm>>) target_semaphore(%run_scoped3A : memref<!tpu.dma_semaphore, #tpu.memory_space<semaphore_mem>>)
      %dma_wait3A = arith.constant 0 : i32
      %dma_wait3A_73 = tpu.memref_slice %arg4[%add3A_55, %dma_wait3A] : memref<20480x128xf32, #tpu.memory_space<hbm>> -> memref<128x128xf32, #tpu.memory_space<hbm>>
      %dma_wait3A_74 = arith.constant 0 : i32
      %dma_wait3A_75 = tpu.memref_slice %arg4[%add3A_55, %dma_wait3A_74] : memref<20480x128xf32, #tpu.memory_space<hbm>> -> memref<128x128xf32, #tpu.memory_space<hbm>>
      tpu.wait_dma2 semaphore(%run_scoped3A : memref<!tpu.dma_semaphore, #tpu.memory_space<semaphore_mem>>) src(%arg8 : memref<128x128xf32, #tpu.memory_space<vmem>>) dst(%dma_wait3A_75 : memref<128x128xf32, #tpu.memory_space<hbm>>)
      tpu.yield
    }) : () -> ()
    %mul3A_56 = arith.constant 640 : i32
    %mul3A_57 = arith.muli %arg1, %mul3A_56 : i32
    %add3A_58 = arith.constant 384 : i32
    %add3A_59 = arith.addi %mul3A_57, %add3A_58 : i32
    "tpu.region"() ({
      %run_scoped3A = tpu.sem_alloc : memref<!tpu.dma_semaphore, #tpu.memory_space<semaphore_mem>>
      %dma_start3A = arith.constant 0 : i32
      %dma_start3A_70 = tpu.memref_slice %arg5[%add3A_59, %dma_start3A] : memref<10240x128xf32, #tpu.memory_space<vmem_shared>> -> memref<128x128xf32, #tpu.memory_space<vmem_shared>>
      %dma_start3A_71 = arith.constant 0 : i32
      %dma_start3A_72 = tpu.memref_slice %arg5[%add3A_59, %dma_start3A_71] : memref<10240x128xf32, #tpu.memory_space<vmem_shared>> -> memref<128x128xf32, #tpu.memory_space<vmem_shared>>
      tpu.enqueue_dma source(%dma_start3A_72 : memref<128x128xf32, #tpu.memory_space<vmem_shared>>) target(%arg8 : memref<128x128xf32, #tpu.memory_space<vmem>>) target_semaphore(%run_scoped3A : memref<!tpu.dma_semaphore, #tpu.memory_space<semaphore_mem>>)
      %dma_wait3A = arith.constant 0 : i32
      %dma_wait3A_73 = tpu.memref_slice %arg5[%add3A_59, %dma_wait3A] : memref<10240x128xf32, #tpu.memory_space<vmem_shared>> -> memref<128x128xf32, #tpu.memory_space<vmem_shared>>
      %dma_wait3A_74 = arith.constant 0 : i32
      %dma_wait3A_75 = tpu.memref_slice %arg5[%add3A_59, %dma_wait3A_74] : memref<10240x128xf32, #tpu.memory_space<vmem_shared>> -> memref<128x128xf32, #tpu.memory_space<vmem_shared>>
      tpu.wait_dma2 semaphore(%run_scoped3A : memref<!tpu.dma_semaphore, #tpu.memory_space<semaphore_mem>>) src(%dma_wait3A_75 : memref<128x128xf32, #tpu.memory_space<vmem_shared>>) dst(%arg8 : memref<128x128xf32, #tpu.memory_space<vmem>>)
      tpu.yield
    }) : () -> ()
    %mul3A_60 = arith.constant 10240 : i32
    %mul3A_61 = arith.muli %arg0, %mul3A_60 : i32
    %add3A_62 = arith.addi %mul3A_61, %add3A_59 : i32
    "tpu.region"() ({
      %run_scoped3A = tpu.sem_alloc : memref<!tpu.dma_semaphore, #tpu.memory_space<semaphore_mem>>
      %dma_start3A = arith.constant 0 : i32
      %dma_start3A_70 = tpu.memref_slice %arg4[%add3A_62, %dma_start3A] : memref<20480x128xf32, #tpu.memory_space<hbm>> -> memref<128x128xf32, #tpu.memory_space<hbm>>
      %dma_start3A_71 = arith.constant 0 : i32
      %dma_start3A_72 = tpu.memref_slice %arg4[%add3A_62, %dma_start3A_71] : memref<20480x128xf32, #tpu.memory_space<hbm>> -> memref<128x128xf32, #tpu.memory_space<hbm>>
      tpu.enqueue_dma source(%arg8 : memref<128x128xf32, #tpu.memory_space<vmem>>) target(%dma_start3A_72 : memref<128x128xf32, #tpu.memory_space<hbm>>) target_semaphore(%run_scoped3A : memref<!tpu.dma_semaphore, #tpu.memory_space<semaphore_mem>>)
      %dma_wait3A = arith.constant 0 : i32
      %dma_wait3A_73 = tpu.memref_slice %arg4[%add3A_62, %dma_wait3A] : memref<20480x128xf32, #tpu.memory_space<hbm>> -> memref<128x128xf32, #tpu.memory_space<hbm>>
      %dma_wait3A_74 = arith.constant 0 : i32
      %dma_wait3A_75 = tpu.memref_slice %arg4[%add3A_62, %dma_wait3A_74] : memref<20480x128xf32, #tpu.memory_space<hbm>> -> memref<128x128xf32, #tpu.memory_space<hbm>>
      tpu.wait_dma2 semaphore(%run_scoped3A : memref<!tpu.dma_semaphore, #tpu.memory_space<semaphore_mem>>) src(%arg8 : memref<128x128xf32, #tpu.memory_space<vmem>>) dst(%dma_wait3A_75 : memref<128x128xf32, #tpu.memory_space<hbm>>)
      tpu.yield
    }) : () -> ()
    %mul3A_63 = arith.constant 640 : i32
    %mul3A_64 = arith.muli %arg1, %mul3A_63 : i32
    %add3A_65 = arith.constant 512 : i32
    %add3A_66 = arith.addi %mul3A_64, %add3A_65 : i32
    "tpu.region"() ({
      %run_scoped3A = tpu.sem_alloc : memref<!tpu.dma_semaphore, #tpu.memory_space<semaphore_mem>>
      %dma_start3A = arith.constant 0 : i32
      %dma_start3A_70 = tpu.memref_slice %arg5[%add3A_66, %dma_start3A] : memref<10240x128xf32, #tpu.memory_space<vmem_shared>> -> memref<128x128xf32, #tpu.memory_space<vmem_shared>>
      %dma_start3A_71 = arith.constant 0 : i32
      %dma_start3A_72 = tpu.memref_slice %arg5[%add3A_66, %dma_start3A_71] : memref<10240x128xf32, #tpu.memory_space<vmem_shared>> -> memref<128x128xf32, #tpu.memory_space<vmem_shared>>
      tpu.enqueue_dma source(%dma_start3A_72 : memref<128x128xf32, #tpu.memory_space<vmem_shared>>) target(%arg8 : memref<128x128xf32, #tpu.memory_space<vmem>>) target_semaphore(%run_scoped3A : memref<!tpu.dma_semaphore, #tpu.memory_space<semaphore_mem>>)
      %dma_wait3A = arith.constant 0 : i32
      %dma_wait3A_73 = tpu.memref_slice %arg5[%add3A_66, %dma_wait3A] : memref<10240x128xf32, #tpu.memory_space<vmem_shared>> -> memref<128x128xf32, #tpu.memory_space<vmem_shared>>
      %dma_wait3A_74 = arith.constant 0 : i32
      %dma_wait3A_75 = tpu.memref_slice %arg5[%add3A_66, %dma_wait3A_74] : memref<10240x128xf32, #tpu.memory_space<vmem_shared>> -> memref<128x128xf32, #tpu.memory_space<vmem_shared>>
      tpu.wait_dma2 semaphore(%run_scoped3A : memref<!tpu.dma_semaphore, #tpu.memory_space<semaphore_mem>>) src(%dma_wait3A_75 : memref<128x128xf32, #tpu.memory_space<vmem_shared>>) dst(%arg8 : memref<128x128xf32, #tpu.memory_space<vmem>>)
      tpu.yield
    }) : () -> ()
    %mul3A_67 = arith.constant 10240 : i32
    %mul3A_68 = arith.muli %arg0, %mul3A_67 : i32
    %add3A_69 = arith.addi %mul3A_68, %add3A_66 : i32
    "tpu.region"() ({
      %run_scoped3A = tpu.sem_alloc : memref<!tpu.dma_semaphore, #tpu.memory_space<semaphore_mem>>
      %dma_start3A = arith.constant 0 : i32
      %dma_start3A_70 = tpu.memref_slice %arg4[%add3A_69, %dma_start3A] : memref<20480x128xf32, #tpu.memory_space<hbm>> -> memref<128x128xf32, #tpu.memory_space<hbm>>
      %dma_start3A_71 = arith.constant 0 : i32
      %dma_start3A_72 = tpu.memref_slice %arg4[%add3A_69, %dma_start3A_71] : memref<20480x128xf32, #tpu.memory_space<hbm>> -> memref<128x128xf32, #tpu.memory_space<hbm>>
      tpu.enqueue_dma source(%arg8 : memref<128x128xf32, #tpu.memory_space<vmem>>) target(%dma_start3A_72 : memref<128x128xf32, #tpu.memory_space<hbm>>) target_semaphore(%run_scoped3A : memref<!tpu.dma_semaphore, #tpu.memory_space<semaphore_mem>>)
      %dma_wait3A = arith.constant 0 : i32
      %dma_wait3A_73 = tpu.memref_slice %arg4[%add3A_69, %dma_wait3A] : memref<20480x128xf32, #tpu.memory_space<hbm>> -> memref<128x128xf32, #tpu.memory_space<hbm>>
      %dma_wait3A_74 = arith.constant 0 : i32
      %dma_wait3A_75 = tpu.memref_slice %arg4[%add3A_69, %dma_wait3A_74] : memref<20480x128xf32, #tpu.memory_space<hbm>> -> memref<128x128xf32, #tpu.memory_space<hbm>>
      tpu.wait_dma2 semaphore(%run_scoped3A : memref<!tpu.dma_semaphore, #tpu.memory_space<semaphore_mem>>) src(%arg8 : memref<128x128xf32, #tpu.memory_space<vmem>>) dst(%dma_wait3A_75 : memref<128x128xf32, #tpu.memory_space<hbm>>)
      tpu.yield
    }) : () -> ()
    return
  }
}

#map = affine_map<(d0, d1) -> (0, 0)>
#map1 = affine_map<(d0, d1) -> (0)>
module attributes {stable_mosaic.version = 14 : i64} {
  func.func @_sc_gather_body(%arg0: i32, %arg1: i32, %arg2: memref<10000x128xf32, #tpu.memory_space<hbm>>, %arg3: memref<10000x128xf32, #tpu.memory_space<hbm>>, %arg4: memref<320000xi32, #tpu.memory_space<hbm>>, %arg5: memref<320000xi32, #tpu.memory_space<hbm>>, %arg6: memref<320000x128xf32, #tpu.memory_space<hbm>>, %arg7: memref<320000x128xf32, #tpu.memory_space<hbm>>, %arg8: memref<80xi32, #tpu.memory_space<vmem>>, %arg9: memref<80xi32, #tpu.memory_space<vmem>>, %arg10: memref<80x128xf32, #tpu.memory_space<vmem>>, %arg11: memref<80x128xf32, #tpu.memory_space<vmem>>, %arg12: memref<!tpu.dma_semaphore, #tpu.memory_space<semaphore_mem>>, %arg13: memref<!tpu.dma_semaphore, #tpu.memory_space<semaphore_mem>>) attributes {dimension_semantics = [#tpu.dimension_semantics<core_parallel>, #tpu.dimension_semantics<subcore_parallel>], iteration_bounds = array<i64: 2, 16>, scalar_prefetch = 0 : i64, scratch_operands = 6 : i64, tpu.core_type = #tpu.core_type<sc_vector_subcore>, window_params = [{transform_indices = #map}, {transform_indices = #map}, {transform_indices = #map1}, {transform_indices = #map1}, {transform_indices = #map}, {transform_indices = #map}]} {
    %mul3A = arith.constant 2 : i32
    %mul3A_0 = arith.muli %arg1, %mul3A : i32
    %add3A = arith.addi %mul3A_0, %arg0 : i32
    %mul3A_1 = arith.constant 10000 : i32
    %mul3A_2 = arith.muli %add3A, %mul3A_1 : i32
    %scan3A = arith.constant 0 : i32
    %scan3A_3 = arith.constant 0 : i32
    %scan3A_4 = arith.constant 125 : i32
    %scan3A_5 = arith.addi %scan3A_3, %scan3A_4 : i32
    %scan3A_6 = arith.constant 1 : i32
    scf.for %scan3A_8 = %scan3A_3 to %scan3A_5 step %scan3A_6  : i32 {
      %mul3A_9 = arith.constant 80 : i32
      %mul3A_10 = arith.muli %scan3A_8, %mul3A_9 : i32
      %add3A_11 = arith.addi %mul3A_2, %mul3A_10 : i32
      %multiple_of3A = tpu.assume_multiple %add3A_11, 80 : i32
      "tpu.region"() ({
        %run_scoped3A = tpu.sem_alloc : memref<!tpu.dma_semaphore, #tpu.memory_space<semaphore_mem>>
        %dma_start3A_22 = tpu.memref_slice %arg4[%multiple_of3A] : memref<320000xi32, #tpu.memory_space<hbm>> -> memref<80xi32, #tpu.memory_space<hbm>>
        %dma_start3A_23 = tpu.memref_slice %arg4[%multiple_of3A] : memref<320000xi32, #tpu.memory_space<hbm>> -> memref<80xi32, #tpu.memory_space<hbm>>
        tpu.enqueue_dma source(%dma_start3A_23 : memref<80xi32, #tpu.memory_space<hbm>>) target(%arg8 : memref<80xi32, #tpu.memory_space<vmem>>) target_semaphore(%run_scoped3A : memref<!tpu.dma_semaphore, #tpu.memory_space<semaphore_mem>>)
        %dma_wait3A_24 = tpu.memref_slice %arg4[%multiple_of3A] : memref<320000xi32, #tpu.memory_space<hbm>> -> memref<80xi32, #tpu.memory_space<hbm>>
        %dma_wait3A_25 = tpu.memref_slice %arg4[%multiple_of3A] : memref<320000xi32, #tpu.memory_space<hbm>> -> memref<80xi32, #tpu.memory_space<hbm>>
        tpu.wait_dma2 semaphore(%run_scoped3A : memref<!tpu.dma_semaphore, #tpu.memory_space<semaphore_mem>>) src(%dma_wait3A_25 : memref<80xi32, #tpu.memory_space<hbm>>) dst(%arg8 : memref<80xi32, #tpu.memory_space<vmem>>)
        tpu.yield
      }) : () -> ()
      "tpu.region"() ({
        %run_scoped3A = tpu.sem_alloc : memref<!tpu.dma_semaphore, #tpu.memory_space<semaphore_mem>>
        %dma_start3A_22 = tpu.memref_slice %arg5[%multiple_of3A] : memref<320000xi32, #tpu.memory_space<hbm>> -> memref<80xi32, #tpu.memory_space<hbm>>
        %dma_start3A_23 = tpu.memref_slice %arg5[%multiple_of3A] : memref<320000xi32, #tpu.memory_space<hbm>> -> memref<80xi32, #tpu.memory_space<hbm>>
        tpu.enqueue_dma source(%dma_start3A_23 : memref<80xi32, #tpu.memory_space<hbm>>) target(%arg9 : memref<80xi32, #tpu.memory_space<vmem>>) target_semaphore(%run_scoped3A : memref<!tpu.dma_semaphore, #tpu.memory_space<semaphore_mem>>)
        %dma_wait3A_24 = tpu.memref_slice %arg5[%multiple_of3A] : memref<320000xi32, #tpu.memory_space<hbm>> -> memref<80xi32, #tpu.memory_space<hbm>>
        %dma_wait3A_25 = tpu.memref_slice %arg5[%multiple_of3A] : memref<320000xi32, #tpu.memory_space<hbm>> -> memref<80xi32, #tpu.memory_space<hbm>>
        tpu.wait_dma2 semaphore(%run_scoped3A : memref<!tpu.dma_semaphore, #tpu.memory_space<semaphore_mem>>) src(%dma_wait3A_25 : memref<80xi32, #tpu.memory_space<hbm>>) dst(%arg9 : memref<80xi32, #tpu.memory_space<vmem>>)
        tpu.yield
      }) : () -> ()
      %dma_start3A = arith.constant 0 : i32
      %dma_start3A_12 = arith.constant 0 : i32
      %dma_start3A_13 = tpu.memref_slice %arg2[%dma_start3A, %dma_start3A_12] : memref<10000x128xf32, #tpu.memory_space<hbm>> -> memref<10000x128xf32, #tpu.memory_space<hbm>>
      tpu.enqueue_indirect_dma source(%dma_start3A_13 : memref<10000x128xf32, #tpu.memory_space<hbm>>) target(%arg10 : memref<80x128xf32, #tpu.memory_space<vmem>>) offsets(%arg8 : memref<80xi32, #tpu.memory_space<vmem>>) semaphore(%arg12 : memref<!tpu.dma_semaphore, #tpu.memory_space<semaphore_mem>>)
      %dma_start3A_14 = arith.constant 0 : i32
      %dma_start3A_15 = arith.constant 0 : i32
      %dma_start3A_16 = tpu.memref_slice %arg3[%dma_start3A_14, %dma_start3A_15] : memref<10000x128xf32, #tpu.memory_space<hbm>> -> memref<10000x128xf32, #tpu.memory_space<hbm>>
      tpu.enqueue_indirect_dma source(%dma_start3A_16 : memref<10000x128xf32, #tpu.memory_space<hbm>>) target(%arg11 : memref<80x128xf32, #tpu.memory_space<vmem>>) offsets(%arg9 : memref<80xi32, #tpu.memory_space<vmem>>) semaphore(%arg13 : memref<!tpu.dma_semaphore, #tpu.memory_space<semaphore_mem>>)
      %dma_wait3A = arith.constant 0 : i32
      %dma_wait3A_17 = arith.constant 0 : i32
      %dma_wait3A_18 = tpu.memref_slice %arg2[%dma_wait3A, %dma_wait3A_17] : memref<10000x128xf32, #tpu.memory_space<hbm>> -> memref<10000x128xf32, #tpu.memory_space<hbm>>
      tpu.wait_indirect_dma semaphore(%arg12 : memref<!tpu.dma_semaphore, #tpu.memory_space<semaphore_mem>>) src(%dma_wait3A_18 : memref<10000x128xf32, #tpu.memory_space<hbm>>) dst(%arg10 : memref<80x128xf32, #tpu.memory_space<vmem>>)
      %dma_wait3A_19 = arith.constant 0 : i32
      %dma_wait3A_20 = arith.constant 0 : i32
      %dma_wait3A_21 = tpu.memref_slice %arg3[%dma_wait3A_19, %dma_wait3A_20] : memref<10000x128xf32, #tpu.memory_space<hbm>> -> memref<10000x128xf32, #tpu.memory_space<hbm>>
      tpu.wait_indirect_dma semaphore(%arg13 : memref<!tpu.dma_semaphore, #tpu.memory_space<semaphore_mem>>) src(%dma_wait3A_21 : memref<10000x128xf32, #tpu.memory_space<hbm>>) dst(%arg11 : memref<80x128xf32, #tpu.memory_space<vmem>>)
      "tpu.region"() ({
        %run_scoped3A = tpu.sem_alloc : memref<!tpu.dma_semaphore, #tpu.memory_space<semaphore_mem>>
        %dma_start3A_22 = arith.constant 0 : i32
        %dma_start3A_23 = tpu.memref_slice %arg6[%multiple_of3A, %dma_start3A_22] : memref<320000x128xf32, #tpu.memory_space<hbm>> -> memref<80x128xf32, #tpu.memory_space<hbm>>
        %dma_start3A_24 = arith.constant 0 : i32
        %dma_start3A_25 = tpu.memref_slice %arg6[%multiple_of3A, %dma_start3A_24] : memref<320000x128xf32, #tpu.memory_space<hbm>> -> memref<80x128xf32, #tpu.memory_space<hbm>>
        tpu.enqueue_dma source(%arg10 : memref<80x128xf32, #tpu.memory_space<vmem>>) target(%dma_start3A_25 : memref<80x128xf32, #tpu.memory_space<hbm>>) target_semaphore(%run_scoped3A : memref<!tpu.dma_semaphore, #tpu.memory_space<semaphore_mem>>)
        %dma_wait3A_26 = arith.constant 0 : i32
        %dma_wait3A_27 = tpu.memref_slice %arg6[%multiple_of3A, %dma_wait3A_26] : memref<320000x128xf32, #tpu.memory_space<hbm>> -> memref<80x128xf32, #tpu.memory_space<hbm>>
        %dma_wait3A_28 = arith.constant 0 : i32
        %dma_wait3A_29 = tpu.memref_slice %arg6[%multiple_of3A, %dma_wait3A_28] : memref<320000x128xf32, #tpu.memory_space<hbm>> -> memref<80x128xf32, #tpu.memory_space<hbm>>
        tpu.wait_dma2 semaphore(%run_scoped3A : memref<!tpu.dma_semaphore, #tpu.memory_space<semaphore_mem>>) src(%arg10 : memref<80x128xf32, #tpu.memory_space<vmem>>) dst(%dma_wait3A_29 : memref<80x128xf32, #tpu.memory_space<hbm>>)
        tpu.yield
      }) : () -> ()
      "tpu.region"() ({
        %run_scoped3A = tpu.sem_alloc : memref<!tpu.dma_semaphore, #tpu.memory_space<semaphore_mem>>
        %dma_start3A_22 = arith.constant 0 : i32
        %dma_start3A_23 = tpu.memref_slice %arg7[%multiple_of3A, %dma_start3A_22] : memref<320000x128xf32, #tpu.memory_space<hbm>> -> memref<80x128xf32, #tpu.memory_space<hbm>>
        %dma_start3A_24 = arith.constant 0 : i32
        %dma_start3A_25 = tpu.memref_slice %arg7[%multiple_of3A, %dma_start3A_24] : memref<320000x128xf32, #tpu.memory_space<hbm>> -> memref<80x128xf32, #tpu.memory_space<hbm>>
        tpu.enqueue_dma source(%arg11 : memref<80x128xf32, #tpu.memory_space<vmem>>) target(%dma_start3A_25 : memref<80x128xf32, #tpu.memory_space<hbm>>) target_semaphore(%run_scoped3A : memref<!tpu.dma_semaphore, #tpu.memory_space<semaphore_mem>>)
        %dma_wait3A_26 = arith.constant 0 : i32
        %dma_wait3A_27 = tpu.memref_slice %arg7[%multiple_of3A, %dma_wait3A_26] : memref<320000x128xf32, #tpu.memory_space<hbm>> -> memref<80x128xf32, #tpu.memory_space<hbm>>
        %dma_wait3A_28 = arith.constant 0 : i32
        %dma_wait3A_29 = tpu.memref_slice %arg7[%multiple_of3A, %dma_wait3A_28] : memref<320000x128xf32, #tpu.memory_space<hbm>> -> memref<80x128xf32, #tpu.memory_space<hbm>>
        tpu.wait_dma2 semaphore(%run_scoped3A : memref<!tpu.dma_semaphore, #tpu.memory_space<semaphore_mem>>) src(%arg11 : memref<80x128xf32, #tpu.memory_space<vmem>>) dst(%dma_wait3A_29 : memref<80x128xf32, #tpu.memory_space<hbm>>)
        tpu.yield
      }) : () -> ()
    }
    %scan3A_7 = arith.constant 125 : i32
    return
  }
}

module attributes {stable_mosaic.version = 14 : i64} {
  func.func @_node_mlp_body(%arg0: i32, %arg1: memref<2000x128xf32, #tpu.memory_space<vmem>>, %arg2: memref<128x128xf32, #tpu.memory_space<vmem>>, %arg3: memref<1x128xf32, #tpu.memory_space<vmem>>, %arg4: memref<128x128xf32, #tpu.memory_space<vmem>>, %arg5: memref<1x128xf32, #tpu.memory_space<vmem>>, %arg6: memref<128x128xf32, #tpu.memory_space<vmem>>, %arg7: memref<1x128xf32, #tpu.memory_space<vmem>>, %arg8: memref<128x128xf32, #tpu.memory_space<vmem>>, %arg9: memref<1x128xf32, #tpu.memory_space<vmem>>, %arg10: memref<2000x128xf32, #tpu.memory_space<vmem>>, %arg11: memref<2000x128xf32, #tpu.memory_space<vmem>>) attributes {dimension_semantics = [#tpu.dimension_semantics<arbitrary>], iteration_bounds = array<i64: 5>, scalar_prefetch = 0 : i64, scratch_operands = 0 : i64, tpu.core_type = #tpu.core_type<tc>, window_params = [{transform_indices = @transform_0, window_bounds = array<i64: 2000, 128>}, {pipeline_mode = #tpu.pipeline_mode<synchronous>, transform_indices = @transform_1, window_bounds = array<i64: 128, 128>}, {pipeline_mode = #tpu.pipeline_mode<synchronous>, transform_indices = @transform_2, window_bounds = array<i64: 1, 128>}, {pipeline_mode = #tpu.pipeline_mode<synchronous>, transform_indices = @transform_3, window_bounds = array<i64: 128, 128>}, {pipeline_mode = #tpu.pipeline_mode<synchronous>, transform_indices = @transform_4, window_bounds = array<i64: 1, 128>}, {pipeline_mode = #tpu.pipeline_mode<synchronous>, transform_indices = @transform_5, window_bounds = array<i64: 128, 128>}, {pipeline_mode = #tpu.pipeline_mode<synchronous>, transform_indices = @transform_6, window_bounds = array<i64: 1, 128>}, {pipeline_mode = #tpu.pipeline_mode<synchronous>, transform_indices = @transform_7, window_bounds = array<i64: 128, 128>}, {pipeline_mode = #tpu.pipeline_mode<synchronous>, transform_indices = @transform_8, window_bounds = array<i64: 1, 128>}, {transform_indices = @transform_9, window_bounds = array<i64: 2000, 128>}, {transform_indices = @transform_10, window_bounds = array<i64: 2000, 128>}]} {
    %get3A = arith.constant 0 : index
    %get3A_0 = arith.constant 0 : index
    %get3A_1 = vector.load %arg1[%get3A, %get3A_0] : memref<2000x128xf32, #tpu.memory_space<vmem>>, vector<2000x128xf32>
    %get3A_2 = arith.constant 0 : index
    %get3A_3 = arith.constant 0 : index
    %get3A_4 = vector.load %arg2[%get3A_2, %get3A_3] : memref<128x128xf32, #tpu.memory_space<vmem>>, vector<128x128xf32>
    %dot_general3A = arith.constant dense<0.000000e+00> : vector<2000x128xf32>
    %dot_general3A_5 = tpu.matmul %get3A_1, %get3A_4, %dot_general3A {dimension_numbers = #tpu.dot_dimension_numbers<[1], [0], [0], [1], [0, 0, 1, 1], [], []>, transpose_lhs_hint = false} : vector<2000x128xf32>, vector<128x128xf32>, vector<2000x128xf32> -> vector<2000x128xf32>
    %get3A_6 = arith.constant 0 : index
    %get3A_7 = arith.constant 0 : index
    %get3A_8 = vector.load %arg3[%get3A_6, %get3A_7] : memref<1x128xf32, #tpu.memory_space<vmem>>, vector<1x128xf32>
    %add3A = vector.broadcast %get3A_8 : vector<1x128xf32> to vector<2000x128xf32>
    %add3A_9 = arith.addf %dot_general3A_5, %add3A : vector<2000x128xf32>
    %custom_jvp_call3A = arith.constant 0.000000e+00 : f32
    %max3A = vector.broadcast %custom_jvp_call3A : f32 to vector<2000x128xf32>
    %max3A_10 = arith.maximumf %add3A_9, %max3A : vector<2000x128xf32>
    %sub3A = vector.broadcast %custom_jvp_call3A : f32 to vector<2000x128xf32>
    %sub3A_11 = arith.subf %add3A_9, %sub3A : vector<2000x128xf32>
    %ne3A = arith.cmpf one, %sub3A_11, %sub3A_11 : vector<2000x128xf32>
    %add3A_12 = vector.broadcast %custom_jvp_call3A : f32 to vector<2000x128xf32>
    %add3A_13 = arith.addf %add3A_9, %add3A_12 : vector<2000x128xf32>
    %abs3A = math.absf %sub3A_11 : vector<2000x128xf32>
    %neg3A = arith.constant 0.000000e+00 : f32
    %neg3A_14 = vector.broadcast %neg3A : f32 to vector<2000x128xf32>
    %neg3A_15 = arith.subf %neg3A_14, %abs3A : vector<2000x128xf32>
    %exp3A = math.exp %neg3A_15 : vector<2000x128xf32>
    %log1p3A = math.log1p %exp3A : vector<2000x128xf32>
    %add3A_16 = arith.addf %max3A_10, %log1p3A : vector<2000x128xf32>
    %select_n3A = arith.select %ne3A, %add3A_13, %add3A_16 : vector<2000x128xi1>, vector<2000x128xf32>
    %tanh3A = math.tanh %select_n3A : vector<2000x128xf32>
    %mul3A = arith.mulf %add3A_9, %tanh3A : vector<2000x128xf32>
    %get3A_17 = arith.constant 0 : index
    %get3A_18 = arith.constant 0 : index
    %get3A_19 = vector.load %arg4[%get3A_17, %get3A_18] : memref<128x128xf32, #tpu.memory_space<vmem>>, vector<128x128xf32>
    %dot_general3A_20 = arith.constant dense<0.000000e+00> : vector<2000x128xf32>
    %dot_general3A_21 = tpu.matmul %mul3A, %get3A_19, %dot_general3A_20 {dimension_numbers = #tpu.dot_dimension_numbers<[1], [0], [0], [1], [0, 0, 1, 1], [], []>, transpose_lhs_hint = false} : vector<2000x128xf32>, vector<128x128xf32>, vector<2000x128xf32> -> vector<2000x128xf32>
    %get3A_22 = arith.constant 0 : index
    %get3A_23 = arith.constant 0 : index
    %get3A_24 = vector.load %arg5[%get3A_22, %get3A_23] : memref<1x128xf32, #tpu.memory_space<vmem>>, vector<1x128xf32>
    %add3A_25 = vector.broadcast %get3A_24 : vector<1x128xf32> to vector<2000x128xf32>
    %add3A_26 = arith.addf %dot_general3A_21, %add3A_25 : vector<2000x128xf32>
    %swap3A = arith.constant 0 : index
    %swap3A_27 = arith.constant 0 : index
    %swap3A_28 = vector.load %arg10[%swap3A, %swap3A_27] : memref<2000x128xf32, #tpu.memory_space<vmem>>, vector<2000x128xf32>
    tpu.vector_store %arg10[%swap3A, %swap3A_27], %add3A_26 {strides = array<i32>} : memref<2000x128xf32, #tpu.memory_space<vmem>>, vector<2000x128xf32>,
    %get3A_29 = arith.constant 0 : index
    %get3A_30 = arith.constant 0 : index
    %get3A_31 = vector.load %arg6[%get3A_29, %get3A_30] : memref<128x128xf32, #tpu.memory_space<vmem>>, vector<128x128xf32>
    %dot_general3A_32 = arith.constant dense<0.000000e+00> : vector<2000x128xf32>
    %dot_general3A_33 = tpu.matmul %get3A_1, %get3A_31, %dot_general3A_32 {dimension_numbers = #tpu.dot_dimension_numbers<[1], [0], [0], [1], [0, 0, 1, 1], [], []>, transpose_lhs_hint = false} : vector<2000x128xf32>, vector<128x128xf32>, vector<2000x128xf32> -> vector<2000x128xf32>
    %get3A_34 = arith.constant 0 : index
    %get3A_35 = arith.constant 0 : index
    %get3A_36 = vector.load %arg7[%get3A_34, %get3A_35] : memref<1x128xf32, #tpu.memory_space<vmem>>, vector<1x128xf32>
    %add3A_37 = vector.broadcast %get3A_36 : vector<1x128xf32> to vector<2000x128xf32>
    %add3A_38 = arith.addf %dot_general3A_33, %add3A_37 : vector<2000x128xf32>
    %custom_jvp_call3A_39 = arith.constant 0.000000e+00 : f32
    %max3A_40 = vector.broadcast %custom_jvp_call3A_39 : f32 to vector<2000x128xf32>
    %max3A_41 = arith.maximumf %add3A_38, %max3A_40 : vector<2000x128xf32>
    %sub3A_42 = vector.broadcast %custom_jvp_call3A_39 : f32 to vector<2000x128xf32>
    %sub3A_43 = arith.subf %add3A_38, %sub3A_42 : vector<2000x128xf32>
    %ne3A_44 = arith.cmpf one, %sub3A_43, %sub3A_43 : vector<2000x128xf32>
    %add3A_45 = vector.broadcast %custom_jvp_call3A_39 : f32 to vector<2000x128xf32>
    %add3A_46 = arith.addf %add3A_38, %add3A_45 : vector<2000x128xf32>
    %abs3A_47 = math.absf %sub3A_43 : vector<2000x128xf32>
    %neg3A_48 = arith.constant 0.000000e+00 : f32
    %neg3A_49 = vector.broadcast %neg3A_48 : f32 to vector<2000x128xf32>
    %neg3A_50 = arith.subf %neg3A_49, %abs3A_47 : vector<2000x128xf32>
    %exp3A_51 = math.exp %neg3A_50 : vector<2000x128xf32>
    %log1p3A_52 = math.log1p %exp3A_51 : vector<2000x128xf32>
    %add3A_53 = arith.addf %max3A_41, %log1p3A_52 : vector<2000x128xf32>
    %select_n3A_54 = arith.select %ne3A_44, %add3A_46, %add3A_53 : vector<2000x128xi1>, vector<2000x128xf32>
    %tanh3A_55 = math.tanh %select_n3A_54 : vector<2000x128xf32>
    %mul3A_56 = arith.mulf %add3A_38, %tanh3A_55 : vector<2000x128xf32>
    %get3A_57 = arith.constant 0 : index
    %get3A_58 = arith.constant 0 : index
    %get3A_59 = vector.load %arg8[%get3A_57, %get3A_58] : memref<128x128xf32, #tpu.memory_space<vmem>>, vector<128x128xf32>
    %dot_general3A_60 = arith.constant dense<0.000000e+00> : vector<2000x128xf32>
    %dot_general3A_61 = tpu.matmul %mul3A_56, %get3A_59, %dot_general3A_60 {dimension_numbers = #tpu.dot_dimension_numbers<[1], [0], [0], [1], [0, 0, 1, 1], [], []>, transpose_lhs_hint = false} : vector<2000x128xf32>, vector<128x128xf32>, vector<2000x128xf32> -> vector<2000x128xf32>
    %get3A_62 = arith.constant 0 : index
    %get3A_63 = arith.constant 0 : index
    %get3A_64 = vector.load %arg9[%get3A_62, %get3A_63] : memref<1x128xf32, #tpu.memory_space<vmem>>, vector<1x128xf32>
    %add3A_65 = vector.broadcast %get3A_64 : vector<1x128xf32> to vector<2000x128xf32>
    %add3A_66 = arith.addf %dot_general3A_61, %add3A_65 : vector<2000x128xf32>
    %swap3A_67 = arith.constant 0 : index
    %swap3A_68 = arith.constant 0 : index
    %swap3A_69 = vector.load %arg11[%swap3A_67, %swap3A_68] : memref<2000x128xf32, #tpu.memory_space<vmem>>, vector<2000x128xf32>
    tpu.vector_store %arg11[%swap3A_67, %swap3A_68], %add3A_66 {strides = array<i32>} : memref<2000x128xf32, #tpu.memory_space<vmem>>, vector<2000x128xf32>,
    return
  }
  func.func @transform_0(%arg0: i32) -> (i32, i32) {
    %c0_i32 = arith.constant 0 : i32
    %c0_i32_0 = arith.constant 0 : i32
    return %arg0, %c0_i32 : i32, i32
  }
  func.func @transform_1(%arg0: i32) -> (i32, i32) {
    %c0_i32 = arith.constant 0 : i32
    %c0_i32_0 = arith.constant 0 : i32
    %c0_i32_1 = arith.constant 0 : i32
    return %c0_i32, %c0_i32_0 : i32, i32
  }
  func.func @transform_2(%arg0: i32) -> (i32, i32) {
    %c0_i32 = arith.constant 0 : i32
    %c0_i32_0 = arith.constant 0 : i32
    %c0_i32_1 = arith.constant 0 : i32
    return %c0_i32, %c0_i32_0 : i32, i32
  }
  func.func @transform_3(%arg0: i32) -> (i32, i32) {
    %c0_i32 = arith.constant 0 : i32
    %c0_i32_0 = arith.constant 0 : i32
    %c0_i32_1 = arith.constant 0 : i32
    return %c0_i32, %c0_i32_0 : i32, i32
  }
  func.func @transform_4(%arg0: i32) -> (i32, i32) {
    %c0_i32 = arith.constant 0 : i32
    %c0_i32_0 = arith.constant 0 : i32
    %c0_i32_1 = arith.constant 0 : i32
    return %c0_i32, %c0_i32_0 : i32, i32
  }
  func.func @transform_5(%arg0: i32) -> (i32, i32) {
    %c0_i32 = arith.constant 0 : i32
    %c0_i32_0 = arith.constant 0 : i32
    %c0_i32_1 = arith.constant 0 : i32
    return %c0_i32, %c0_i32_0 : i32, i32
  }
  func.func @transform_6(%arg0: i32) -> (i32, i32) {
    %c0_i32 = arith.constant 0 : i32
    %c0_i32_0 = arith.constant 0 : i32
    %c0_i32_1 = arith.constant 0 : i32
    return %c0_i32, %c0_i32_0 : i32, i32
  }
  func.func @transform_7(%arg0: i32) -> (i32, i32) {
    %c0_i32 = arith.constant 0 : i32
    %c0_i32_0 = arith.constant 0 : i32
    %c0_i32_1 = arith.constant 0 : i32
    return %c0_i32, %c0_i32_0 : i32, i32
  }
  func.func @transform_8(%arg0: i32) -> (i32, i32) {
    %c0_i32 = arith.constant 0 : i32
    %c0_i32_0 = arith.constant 0 : i32
    %c0_i32_1 = arith.constant 0 : i32
    return %c0_i32, %c0_i32_0 : i32, i32
  }
  func.func @transform_9(%arg0: i32) -> (i32, i32) {
    %c0_i32 = arith.constant 0 : i32
    %c0_i32_0 = arith.constant 0 : i32
    return %arg0, %c0_i32 : i32, i32
  }
  func.func @transform_10(%arg0: i32) -> (i32, i32) {
    %c0_i32 = arith.constant 0 : i32
    %c0_i32_0 = arith.constant 0 : i32
    return %arg0, %c0_i32 : i32, i32
  }
}

module attributes {stable_mosaic.version = 14 : i64} {
  func.func @_edge_msg_body(%arg0: i32, %arg1: memref<2000x128xf32, #tpu.memory_space<vmem>>, %arg2: memref<2000x128xf32, #tpu.memory_space<vmem>>, %arg3: memref<2000x128xf32, #tpu.memory_space<vmem>>, %arg4: memref<128x128xf32, #tpu.memory_space<vmem>>, %arg5: memref<1x128xf32, #tpu.memory_space<vmem>>, %arg6: memref<128x128xf32, #tpu.memory_space<vmem>>, %arg7: memref<1x128xf32, #tpu.memory_space<vmem>>, %arg8: memref<128x128xf32, #tpu.memory_space<vmem>>, %arg9: memref<1x128xf32, #tpu.memory_space<vmem>>, %arg10: memref<128x128xf32, #tpu.memory_space<vmem>>, %arg11: memref<1x128xf32, #tpu.memory_space<vmem>>, %arg12: memref<2000x128xf32, #tpu.memory_space<vmem>>) attributes {dimension_semantics = [#tpu.dimension_semantics<arbitrary>], iteration_bounds = array<i64: 160>, scalar_prefetch = 0 : i64, scratch_operands = 0 : i64, tpu.core_type = #tpu.core_type<tc>, window_params = [{transform_indices = @transform_0, window_bounds = array<i64: 2000, 128>}, {transform_indices = @transform_1, window_bounds = array<i64: 2000, 128>}, {transform_indices = @transform_2, window_bounds = array<i64: 2000, 128>}, {pipeline_mode = #tpu.pipeline_mode<synchronous>, transform_indices = @transform_3, window_bounds = array<i64: 128, 128>}, {pipeline_mode = #tpu.pipeline_mode<synchronous>, transform_indices = @transform_4, window_bounds = array<i64: 1, 128>}, {pipeline_mode = #tpu.pipeline_mode<synchronous>, transform_indices = @transform_5, window_bounds = array<i64: 128, 128>}, {pipeline_mode = #tpu.pipeline_mode<synchronous>, transform_indices = @transform_6, window_bounds = array<i64: 1, 128>}, {pipeline_mode = #tpu.pipeline_mode<synchronous>, transform_indices = @transform_7, window_bounds = array<i64: 128, 128>}, {pipeline_mode = #tpu.pipeline_mode<synchronous>, transform_indices = @transform_8, window_bounds = array<i64: 1, 128>}, {pipeline_mode = #tpu.pipeline_mode<synchronous>, transform_indices = @transform_9, window_bounds = array<i64: 128, 128>}, {pipeline_mode = #tpu.pipeline_mode<synchronous>, transform_indices = @transform_10, window_bounds = array<i64: 1, 128>}, {transform_indices = @transform_11, window_bounds = array<i64: 2000, 128>}]} {
    %get3A = arith.constant 0 : index
    %get3A_0 = arith.constant 0 : index
    %get3A_1 = vector.load %arg1[%get3A, %get3A_0] : memref<2000x128xf32, #tpu.memory_space<vmem>>, vector<2000x128xf32>
    %get3A_2 = arith.constant 0 : index
    %get3A_3 = arith.constant 0 : index
    %get3A_4 = vector.load %arg4[%get3A_2, %get3A_3] : memref<128x128xf32, #tpu.memory_space<vmem>>, vector<128x128xf32>
    %dot_general3A = arith.constant dense<0.000000e+00> : vector<2000x128xf32>
    %dot_general3A_5 = tpu.matmul %get3A_1, %get3A_4, %dot_general3A {dimension_numbers = #tpu.dot_dimension_numbers<[1], [0], [0], [1], [0, 0, 1, 1], [], []>, transpose_lhs_hint = false} : vector<2000x128xf32>, vector<128x128xf32>, vector<2000x128xf32> -> vector<2000x128xf32>
    %get3A_6 = arith.constant 0 : index
    %get3A_7 = arith.constant 0 : index
    %get3A_8 = vector.load %arg5[%get3A_6, %get3A_7] : memref<1x128xf32, #tpu.memory_space<vmem>>, vector<1x128xf32>
    %add3A = vector.broadcast %get3A_8 : vector<1x128xf32> to vector<2000x128xf32>
    %add3A_9 = arith.addf %dot_general3A_5, %add3A : vector<2000x128xf32>
    %custom_jvp_call3A = arith.constant 0.000000e+00 : f32
    %max3A = vector.broadcast %custom_jvp_call3A : f32 to vector<2000x128xf32>
    %max3A_10 = arith.maximumf %add3A_9, %max3A : vector<2000x128xf32>
    %sub3A = vector.broadcast %custom_jvp_call3A : f32 to vector<2000x128xf32>
    %sub3A_11 = arith.subf %add3A_9, %sub3A : vector<2000x128xf32>
    %ne3A = arith.cmpf one, %sub3A_11, %sub3A_11 : vector<2000x128xf32>
    %add3A_12 = vector.broadcast %custom_jvp_call3A : f32 to vector<2000x128xf32>
    %add3A_13 = arith.addf %add3A_9, %add3A_12 : vector<2000x128xf32>
    %abs3A = math.absf %sub3A_11 : vector<2000x128xf32>
    %neg3A = arith.constant 0.000000e+00 : f32
    %neg3A_14 = vector.broadcast %neg3A : f32 to vector<2000x128xf32>
    %neg3A_15 = arith.subf %neg3A_14, %abs3A : vector<2000x128xf32>
    %exp3A = math.exp %neg3A_15 : vector<2000x128xf32>
    %log1p3A = math.log1p %exp3A : vector<2000x128xf32>
    %add3A_16 = arith.addf %max3A_10, %log1p3A : vector<2000x128xf32>
    %select_n3A = arith.select %ne3A, %add3A_13, %add3A_16 : vector<2000x128xi1>, vector<2000x128xf32>
    %tanh3A = math.tanh %select_n3A : vector<2000x128xf32>
    %mul3A = arith.mulf %add3A_9, %tanh3A : vector<2000x128xf32>
    %get3A_17 = arith.constant 0 : index
    %get3A_18 = arith.constant 0 : index
    %get3A_19 = vector.load %arg6[%get3A_17, %get3A_18] : memref<128x128xf32, #tpu.memory_space<vmem>>, vector<128x128xf32>
    %dot_general3A_20 = arith.constant dense<0.000000e+00> : vector<2000x128xf32>
    %dot_general3A_21 = tpu.matmul %mul3A, %get3A_19, %dot_general3A_20 {dimension_numbers = #tpu.dot_dimension_numbers<[1], [0], [0], [1], [0, 0, 1, 1], [], []>, transpose_lhs_hint = false} : vector<2000x128xf32>, vector<128x128xf32>, vector<2000x128xf32> -> vector<2000x128xf32>
    %get3A_22 = arith.constant 0 : index
    %get3A_23 = arith.constant 0 : index
    %get3A_24 = vector.load %arg7[%get3A_22, %get3A_23] : memref<1x128xf32, #tpu.memory_space<vmem>>, vector<1x128xf32>
    %add3A_25 = vector.broadcast %get3A_24 : vector<1x128xf32> to vector<2000x128xf32>
    %add3A_26 = arith.addf %dot_general3A_21, %add3A_25 : vector<2000x128xf32>
    %get3A_27 = arith.constant 0 : index
    %get3A_28 = arith.constant 0 : index
    %get3A_29 = vector.load %arg2[%get3A_27, %get3A_28] : memref<2000x128xf32, #tpu.memory_space<vmem>>, vector<2000x128xf32>
    %get3A_30 = arith.constant 0 : index
    %get3A_31 = arith.constant 0 : index
    %get3A_32 = vector.load %arg3[%get3A_30, %get3A_31] : memref<2000x128xf32, #tpu.memory_space<vmem>>, vector<2000x128xf32>
    %mul3A_33 = arith.mulf %get3A_29, %get3A_32 : vector<2000x128xf32>
    %mul3A_34 = arith.constant 2.56696971E-38 : f32
    %mul3A_35 = vector.broadcast %mul3A_34 : f32 to vector<2000x128xf32>
    %mul3A_36 = arith.mulf %mul3A_33, %mul3A_35 : vector<2000x128xf32>
    %mul3A_37 = arith.constant 1.11265011E-10 : f32
    %mul3A_38 = vector.broadcast %mul3A_37 : f32 to vector<2000x128xf32>
    %mul3A_39 = arith.mulf %mul3A_38, %add3A_26 : vector<2000x128xf32>
    %mul3A_40 = arith.constant 1.000000e-10 : f32
    %mul3A_41 = vector.broadcast %mul3A_40 : f32 to vector<2000x128xf32>
    %mul3A_42 = arith.mulf %mul3A_39, %mul3A_41 : vector<2000x128xf32>
    %div3A = arith.divf %mul3A_36, %mul3A_42 : vector<2000x128xf32>
    %get3A_43 = arith.constant 0 : index
    %get3A_44 = arith.constant 0 : index
    %get3A_45 = vector.load %arg8[%get3A_43, %get3A_44] : memref<128x128xf32, #tpu.memory_space<vmem>>, vector<128x128xf32>
    %dot_general3A_46 = arith.constant dense<0.000000e+00> : vector<2000x128xf32>
    %dot_general3A_47 = tpu.matmul %div3A, %get3A_45, %dot_general3A_46 {dimension_numbers = #tpu.dot_dimension_numbers<[1], [0], [0], [1], [0, 0, 1, 1], [], []>, transpose_lhs_hint = false} : vector<2000x128xf32>, vector<128x128xf32>, vector<2000x128xf32> -> vector<2000x128xf32>
    %get3A_48 = arith.constant 0 : index
    %get3A_49 = arith.constant 0 : index
    %get3A_50 = vector.load %arg9[%get3A_48, %get3A_49] : memref<1x128xf32, #tpu.memory_space<vmem>>, vector<1x128xf32>
    %add3A_51 = vector.broadcast %get3A_50 : vector<1x128xf32> to vector<2000x128xf32>
    %add3A_52 = arith.addf %dot_general3A_47, %add3A_51 : vector<2000x128xf32>
    %custom_jvp_call3A_53 = arith.constant 0.000000e+00 : f32
    %max3A_54 = vector.broadcast %custom_jvp_call3A_53 : f32 to vector<2000x128xf32>
    %max3A_55 = arith.maximumf %add3A_52, %max3A_54 : vector<2000x128xf32>
    %sub3A_56 = vector.broadcast %custom_jvp_call3A_53 : f32 to vector<2000x128xf32>
    %sub3A_57 = arith.subf %add3A_52, %sub3A_56 : vector<2000x128xf32>
    %ne3A_58 = arith.cmpf one, %sub3A_57, %sub3A_57 : vector<2000x128xf32>
    %add3A_59 = vector.broadcast %custom_jvp_call3A_53 : f32 to vector<2000x128xf32>
    %add3A_60 = arith.addf %add3A_52, %add3A_59 : vector<2000x128xf32>
    %abs3A_61 = math.absf %sub3A_57 : vector<2000x128xf32>
    %neg3A_62 = arith.constant 0.000000e+00 : f32
    %neg3A_63 = vector.broadcast %neg3A_62 : f32 to vector<2000x128xf32>
    %neg3A_64 = arith.subf %neg3A_63, %abs3A_61 : vector<2000x128xf32>
    %exp3A_65 = math.exp %neg3A_64 : vector<2000x128xf32>
    %log1p3A_66 = math.log1p %exp3A_65 : vector<2000x128xf32>
    %add3A_67 = arith.addf %max3A_55, %log1p3A_66 : vector<2000x128xf32>
    %select_n3A_68 = arith.select %ne3A_58, %add3A_60, %add3A_67 : vector<2000x128xi1>, vector<2000x128xf32>
    %tanh3A_69 = math.tanh %select_n3A_68 : vector<2000x128xf32>
    %mul3A_70 = arith.mulf %add3A_52, %tanh3A_69 : vector<2000x128xf32>
    %get3A_71 = arith.constant 0 : index
    %get3A_72 = arith.constant 0 : index
    %get3A_73 = vector.load %arg10[%get3A_71, %get3A_72] : memref<128x128xf32, #tpu.memory_space<vmem>>, vector<128x128xf32>
    %dot_general3A_74 = arith.constant dense<0.000000e+00> : vector<2000x128xf32>
    %dot_general3A_75 = tpu.matmul %mul3A_70, %get3A_73, %dot_general3A_74 {dimension_numbers = #tpu.dot_dimension_numbers<[1], [0], [0], [1], [0, 0, 1, 1], [], []>, transpose_lhs_hint = false} : vector<2000x128xf32>, vector<128x128xf32>, vector<2000x128xf32> -> vector<2000x128xf32>
    %get3A_76 = arith.constant 0 : index
    %get3A_77 = arith.constant 0 : index
    %get3A_78 = vector.load %arg11[%get3A_76, %get3A_77] : memref<1x128xf32, #tpu.memory_space<vmem>>, vector<1x128xf32>
    %add3A_79 = vector.broadcast %get3A_78 : vector<1x128xf32> to vector<2000x128xf32>
    %add3A_80 = arith.addf %dot_general3A_75, %add3A_79 : vector<2000x128xf32>
    %swap3A = arith.constant 0 : index
    %swap3A_81 = arith.constant 0 : index
    %swap3A_82 = vector.load %arg12[%swap3A, %swap3A_81] : memref<2000x128xf32, #tpu.memory_space<vmem>>, vector<2000x128xf32>
    tpu.vector_store %arg12[%swap3A, %swap3A_81], %add3A_80 {strides = array<i32>} : memref<2000x128xf32, #tpu.memory_space<vmem>>, vector<2000x128xf32>,
    return
  }
  func.func @transform_0(%arg0: i32) -> (i32, i32) {
    %c0_i32 = arith.constant 0 : i32
    %c0_i32_0 = arith.constant 0 : i32
    return %arg0, %c0_i32 : i32, i32
  }
  func.func @transform_1(%arg0: i32) -> (i32, i32) {
    %c0_i32 = arith.constant 0 : i32
    %c0_i32_0 = arith.constant 0 : i32
    return %arg0, %c0_i32 : i32, i32
  }
  func.func @transform_2(%arg0: i32) -> (i32, i32) {
    %c0_i32 = arith.constant 0 : i32
    %c0_i32_0 = arith.constant 0 : i32
    return %arg0, %c0_i32 : i32, i32
  }
  func.func @transform_3(%arg0: i32) -> (i32, i32) {
    %c0_i32 = arith.constant 0 : i32
    %c0_i32_0 = arith.constant 0 : i32
    %c0_i32_1 = arith.constant 0 : i32
    return %c0_i32, %c0_i32_0 : i32, i32
  }
  func.func @transform_4(%arg0: i32) -> (i32, i32) {
    %c0_i32 = arith.constant 0 : i32
    %c0_i32_0 = arith.constant 0 : i32
    %c0_i32_1 = arith.constant 0 : i32
    return %c0_i32, %c0_i32_0 : i32, i32
  }
  func.func @transform_5(%arg0: i32) -> (i32, i32) {
    %c0_i32 = arith.constant 0 : i32
    %c0_i32_0 = arith.constant 0 : i32
    %c0_i32_1 = arith.constant 0 : i32
    return %c0_i32, %c0_i32_0 : i32, i32
  }
  func.func @transform_6(%arg0: i32) -> (i32, i32) {
    %c0_i32 = arith.constant 0 : i32
    %c0_i32_0 = arith.constant 0 : i32
    %c0_i32_1 = arith.constant 0 : i32
    return %c0_i32, %c0_i32_0 : i32, i32
  }
  func.func @transform_7(%arg0: i32) -> (i32, i32) {
    %c0_i32 = arith.constant 0 : i32
    %c0_i32_0 = arith.constant 0 : i32
    %c0_i32_1 = arith.constant 0 : i32
    return %c0_i32, %c0_i32_0 : i32, i32
  }
  func.func @transform_8(%arg0: i32) -> (i32, i32) {
    %c0_i32 = arith.constant 0 : i32
    %c0_i32_0 = arith.constant 0 : i32
    %c0_i32_1 = arith.constant 0 : i32
    return %c0_i32, %c0_i32_0 : i32, i32
  }
  func.func @transform_9(%arg0: i32) -> (i32, i32) {
    %c0_i32 = arith.constant 0 : i32
    %c0_i32_0 = arith.constant 0 : i32
    %c0_i32_1 = arith.constant 0 : i32
    return %c0_i32, %c0_i32_0 : i32, i32
  }
  func.func @transform_10(%arg0: i32) -> (i32, i32) {
    %c0_i32 = arith.constant 0 : i32
    %c0_i32_0 = arith.constant 0 : i32
    %c0_i32_1 = arith.constant 0 : i32
    return %c0_i32, %c0_i32_0 : i32, i32
  }
  func.func @transform_11(%arg0: i32) -> (i32, i32) {
    %c0_i32 = arith.constant 0 : i32
    %c0_i32_0 = arith.constant 0 : i32
    return %arg0, %c0_i32 : i32, i32
  }
}

module attributes {stable_mosaic.version = 14 : i64} {
  func.func @_final_body(%arg0: i32, %arg1: memref<2000x128xf32, #tpu.memory_space<vmem>>, %arg2: memref<2000x128xf32, #tpu.memory_space<vmem>>, %arg3: memref<2000x128xf32, #tpu.memory_space<vmem>>, %arg4: memref<2000x128xf32, #tpu.memory_space<vmem>>) attributes {dimension_semantics = [#tpu.dimension_semantics<arbitrary>], iteration_bounds = array<i64: 5>, scalar_prefetch = 0 : i64, scratch_operands = 0 : i64, tpu.core_type = #tpu.core_type<tc>, window_params = [{transform_indices = @transform_0, window_bounds = array<i64: 2000, 128>}, {transform_indices = @transform_1, window_bounds = array<i64: 2000, 128>}, {transform_indices = @transform_2, window_bounds = array<i64: 2000, 128>}, {transform_indices = @transform_3, window_bounds = array<i64: 2000, 128>}]} {
    %get3A = arith.constant 0 : index
    %get3A_0 = arith.constant 0 : index
    %get3A_1 = vector.load %arg1[%get3A, %get3A_0] : memref<2000x128xf32, #tpu.memory_space<vmem>>, vector<2000x128xf32>
    %get3A_2 = arith.constant 0 : index
    %get3A_3 = arith.constant 0 : index
    %get3A_4 = vector.load %arg2[%get3A_2, %get3A_3] : memref<2000x128xf32, #tpu.memory_space<vmem>>, vector<2000x128xf32>
    %get3A_5 = arith.constant 0 : index
    %get3A_6 = arith.constant 0 : index
    %get3A_7 = vector.load %arg3[%get3A_5, %get3A_6] : memref<2000x128xf32, #tpu.memory_space<vmem>>, vector<2000x128xf32>
    %add3A = arith.addf %get3A_4, %get3A_7 : vector<2000x128xf32>
    %add3A_8 = arith.addf %get3A_1, %add3A : vector<2000x128xf32>
    %custom_jvp_call3A = arith.constant 0.000000e+00 : f32
    %max3A = vector.broadcast %custom_jvp_call3A : f32 to vector<2000x128xf32>
    %max3A_9 = arith.maximumf %add3A_8, %max3A : vector<2000x128xf32>
    %sub3A = vector.broadcast %custom_jvp_call3A : f32 to vector<2000x128xf32>
    %sub3A_10 = arith.subf %add3A_8, %sub3A : vector<2000x128xf32>
    %ne3A = arith.cmpf one, %sub3A_10, %sub3A_10 : vector<2000x128xf32>
    %add3A_11 = vector.broadcast %custom_jvp_call3A : f32 to vector<2000x128xf32>
    %add3A_12 = arith.addf %add3A_8, %add3A_11 : vector<2000x128xf32>
    %abs3A = math.absf %sub3A_10 : vector<2000x128xf32>
    %neg3A = arith.constant 0.000000e+00 : f32
    %neg3A_13 = vector.broadcast %neg3A : f32 to vector<2000x128xf32>
    %neg3A_14 = arith.subf %neg3A_13, %abs3A : vector<2000x128xf32>
    %exp3A = math.exp %neg3A_14 : vector<2000x128xf32>
    %log1p3A = math.log1p %exp3A : vector<2000x128xf32>
    %add3A_15 = arith.addf %max3A_9, %log1p3A : vector<2000x128xf32>
    %select_n3A = arith.select %ne3A, %add3A_12, %add3A_15 : vector<2000x128xi1>, vector<2000x128xf32>
    %swap3A = arith.constant 0 : index
    %swap3A_16 = arith.constant 0 : index
    %swap3A_17 = vector.load %arg4[%swap3A, %swap3A_16] : memref<2000x128xf32, #tpu.memory_space<vmem>>, vector<2000x128xf32>
    tpu.vector_store %arg4[%swap3A, %swap3A_16], %select_n3A {strides = array<i32>} : memref<2000x128xf32, #tpu.memory_space<vmem>>, vector<2000x128xf32>,
    return
  }
  func.func @transform_0(%arg0: i32) -> (i32, i32) {
    %c0_i32 = arith.constant 0 : i32
    %c0_i32_0 = arith.constant 0 : i32
    return %arg0, %c0_i32 : i32, i32
  }
  func.func @transform_1(%arg0: i32) -> (i32, i32) {
    %c0_i32 = arith.constant 0 : i32
    %c0_i32_0 = arith.constant 0 : i32
    return %arg0, %c0_i32 : i32, i32
  }
  func.func @transform_2(%arg0: i32) -> (i32, i32) {
    %c0_i32 = arith.constant 0 : i32
    %c0_i32_0 = arith.constant 0 : i32
    return %arg0, %c0_i32 : i32, i32
  }
  func.func @transform_3(%arg0: i32) -> (i32, i32) {
    %c0_i32 = arith.constant 0 : i32
    %c0_i32_0 = arith.constant 0 : i32
    return %arg0, %c0_i32 : i32, i32
  }
}

</mosaic_0001>

<sc_bundles>
// kernel: kernel.10.cloned.1.call-start
scs
__scs_entry_jumppad:
0x0: {  	(pc) =	sbr.rel $0x88, $3  }
0x1: {  	(tag) =	ssettag $0x0;
	lr =	simm.s32 $0x1  }
0x2: {  	[smem:$0x3F8E] =	sst lr;
	_ =	strace $0xD0000000  }
0x3: {  	_ = 	snop  }
0x4: {  	_ = 	snop  }
0x5: {  	_ = 	snop  }
0x6: {  	_ = 	snop  }
0x7: {  	_ = 	snop  }
__scs_overlays_trampoline_lowered:
0x8: {  	[smem:$0x3F9D] =	sst s0  }
0x9: {  	[smem:$0x3F9E] =	sst s1  }
0xa: {  	[smem:$0x3F9F] =	sst s2  }
0xb: {  	[smem:$0x3FA0] =	sst s3  }
0xc: {  	[smem:$0x3FA1] =	sst s4  }
0xd: {  	[smem:$0x3FA2] =	sst s5  }
0xe: {  	[smem:$0x3FA3] =	sst s6  }
0xf: {  	[smem:$0x3FA4] =	sst s7  }
0x10: {  	[smem:$0x3FA5] =	sst s8  }
0x11: {  	[smem:$0x3FA6] =	sst s9;
	s0 =	simm.s32 @!p0 $0x0  }
0x12: {  	s1 =	sld [smem:$0x3F8C];
	s0 =	simm.s32 @p0 $0x1  }
0x13: {  	[smem:$0x3FA7] =	sst s0;
	s0 =	simm.s32 @!p1 $0x0  }
0x14: {  	s2 =	sld [smem:$0x3F8B];
	s0 =	simm.s32 @p1 $0x1  }
0x15: {  	[smem:$0x3FA8] =	sst s0;
	s0 =	simm.s32 @!p2 $0x0  }
0x16: {  	s3 =	sld [smem:$0x3FDB];
	s0 =	simm.s32 @p2 $0x1  }
0x17: {  	s4 =	simm.s32 $0x1BF5;
	[smem:$0x3FAA] =	sst s0  }
0x18: {  	s0 =	sld [smem:$0x3F8D];
	_ =	swait.ge [sflag:s4], $0x0  }
0x19: {  	s7 =	sld [smem:$0x3F8E]  }
0x1a: {  	s8 =	sadd.s32 $0xFFFFE003, lr  }
0x1b: {  	s9 =	sadd.s32 $0xFFFFFEF7, lr;
	s5 =	simm.s32 $0xFFFFFFFF;
	p2 =	slt.u32 s8, $0xFFFFF086  }
0x1c: {  	p1 =	slt.u32 s9, $0xF7A;
	s5 =	simm.s32 @!p2 $0x0  }
0x1d: {  	s5 =	simm.s32 @p1 $0x1;
	p0 =	seq.s32 s7, s2  }
0x1e: {  	s7 =	smul.u32 @!p0 $0xF7A, s2;
	p2 =	seq.s32 @!p0 s5, $0x0  }
0x1f: {  	s9 =	smul.u32 $0xF7A, s1;
	s8 =	simm.s32 @!p0 $0x1BF5;
	p2 =	por !p2, p0  }
0x20: {  	[sflag:s8] =	ssyncset.s32 @!p0 $0xFFFFF086;
	s6 =	sadd.s32 @!p0 s3, s7;
	s7 =	simm.s32 @!p0 $0x108  }
0x21: {  	s3 =	sadd.s32 s3, s9;
	s6 =	sadd.s32 @!p0 $0x88, s6;
	s7 =	simm.s32 @p2 $0x1082  }
0x22: {  	[simem:s7], [sflag:s8] =	dma.local @!p0 [hbm:s6], $0xF7A  }
0x23: {  	s9 =	sor.u32 $0xD0000000, s2;
	s6 =	simm.s32 $0x108;
	_ =	swait.ge @!p0 [sflag:s8], $0x0  }
0x24: {  	s3 =	sadd.s32 $0x88, s3;
	s6 =	simm.s32 @!p1 $0x1082;
	[sflag:s4] =	ssyncset.s32 $0xFFFFF086  }
0x25: {  	[simem:s6], [sflag:s4] =	dma.local [hbm:s3], $0xF7A  }
0x26: {  	[smem:$0x3F8E] =	sst s1;
	(tag) =	ssettag s2;
	_ =	strace s9  }
0x27: {  	s1 =	sld [smem:$0x3F9E]  }
0x28: {  	s2 =	sld [smem:$0x3F9F]  }
0x29: {  	s4 =	sld [smem:$0x3FA1]  }
0x2a: {  	p0 =	seq.s32 s5, $0x0;
	s5 =	sld [smem:$0x3FA2]  }
0x2b: {  	s6 =	sld [smem:$0x3FA3]  }
0x2c: {  	s7 =	sld [smem:$0x3FA4]  }
0x2d: {  	s3 =	simm.s32 $0x108;
	s8 =	sld [smem:$0x3FA5]  }
0x2e: {  	s3 =	simm.s32 @!p0 $0x1082;
	s9 =	sld [smem:$0x3FA6]  }
0x2f: {  	lr =	sadd.s32 s0, s3;
	s0 =	sld [smem:$0x3F9D]  }
0x30: {  	s3 =	sld [smem:$0x3FA0]  }
0x31: {  	[smem:$0x3FA9] =	sst s10  }
0x32: {  	s10 =	sld [smem:$0x3FA7];
	_ =	sdelay $0x3  }
0x33: {  	p0 =	seq.s32 s10, $0x1;
	s10 =	sld [smem:$0x3FA9];
	_ =	sdelay $0x3  }
0x34: {  	[smem:$0x3FA9] =	sst s10  }
0x35: {  	s10 =	sld [smem:$0x3FA8];
	_ =	sdelay $0x3  }
0x36: {  	p1 =	seq.s32 s10, $0x1;
	s10 =	sld [smem:$0x3FA9];
	_ =	sdelay $0x3  }
0x37: {  	[smem:$0x3FA9] =	sst s10  }
0x38: {  	s10 =	sld [smem:$0x3FAA]  }
0x39: {  	_ = 	snop;
	(pc) =	sbr.ind lr, $3  }
0x3a: {  	_ = 	snop  }
0x3b: {  	_ = 	snop  }
0x3c: {  	p2 =	seq.s32 s10, $0x1;
	s10 =	sld [smem:$0x3FA9]  }
0x3d: {  	_ =	shalt  }
0x3e: {  	_ =	shalt  }
0x3f: {  	_ =	shalt  }
0x40: {  	_ =	shalt  }
0x41: {  	_ =	shalt  }
0x42: {  	_ =	shalt  }
0x43: {  	_ =	shalt  }
0x44: {  	_ =	shalt  }
0x45: {  	_ =	shalt  }
0x46: {  	_ =	shalt  }
0x47: {  	_ =	shalt  }
0x48: {  	_ =	shalt  }
0x49: {  	_ =	shalt  }
0x4a: {  	_ =	shalt  }
0x4b: {  	_ =	shalt  }
0x4c: {  	_ =	shalt  }
0x4d: {  	_ =	shalt  }
0x4e: {  	_ =	shalt  }
0x4f: {  	_ =	shalt  }
0x50: {  	_ =	shalt  }
0x51: {  	_ =	shalt  }
0x52: {  	_ =	shalt  }
0x53: {  	_ =	shalt  }
0x54: {  	_ =	shalt  }
0x55: {  	_ =	shalt  }
0x56: {  	_ =	shalt  }
0x57: {  	_ =	shalt  }
0x58: {  	_ =	shalt  }
0x59: {  	_ =	shalt  }
0x5a: {  	_ =	shalt  }
0x5b: {  	_ =	shalt  }
0x5c: {  	_ =	shalt  }
0x5d: {  	_ =	shalt  }
0x5e: {  	_ =	shalt  }
0x5f: {  	_ =	shalt  }
0x60: {  	_ =	shalt  }
0x61: {  	_ =	shalt  }
0x62: {  	_ =	shalt  }
0x63: {  	_ =	shalt  }
0x64: {  	_ =	shalt  }
0x65: {  	_ =	shalt  }
0x66: {  	_ =	shalt  }
0x67: {  	_ =	shalt  }
0x68: {  	_ =	shalt  }
0x69: {  	_ =	shalt  }
0x6a: {  	_ =	shalt  }
0x6b: {  	_ =	shalt  }
0x6c: {  	_ =	shalt  }
0x6d: {  	_ =	shalt  }
0x6e: {  	_ =	shalt  }
0x6f: {  	_ =	shalt  }
0x70: {  	_ =	shalt  }
0x71: {  	_ =	shalt  }
0x72: {  	_ =	shalt  }
0x73: {  	_ =	shalt  }
0x74: {  	_ =	shalt  }
0x75: {  	_ =	shalt  }
0x76: {  	_ =	shalt  }
0x77: {  	_ =	shalt  }
0x78: {  	_ =	shalt  }
0x79: {  	_ =	shalt  }
0x7a: {  	_ =	shalt  }
0x7b: {  	_ =	shalt  }
0x7c: {  	_ =	shalt  }
0x7d: {  	_ =	shalt  }
0x7e: {  	_ =	shalt  }
0x7f: {  	_ =	shalt  }
0x80: {  	_ =	shalt  }
0x81: {  	_ =	shalt  }
0x82: {  	_ =	shalt  }
0x83: {  	_ =	shalt  }
0x84: {  	_ =	shalt  }
0x85: {  	_ =	shalt  }
0x86: {  	_ =	shalt  }
0x87: {  	_ =	shalt  }
.Lfunc_end0:
.L_simem_size_0:
called_computation.1_lowered:
.L_overlay_start_0:
0x88: {  	s2 =	sld [smem:$0x3FD9]  }
0x89: {  	s3 =	sld [smem:$0x3FFE];
	_ =	sdelay $0x1  }
0x8a: {  	s1 =	srdreg.scid  }
0x8b: {  	s0 =	sand.u32 $0x1, s1  }
0x8c: {  	s16 =	sshll.u32 s0, $0xA;
	s2 =	sadd.s32 s3, s2  }
0x8d: {  	s2 =	sadd.s32 s2, s16  }
0x8e: {  	[smem:$0x3FB5] =	sst s2  }
0x8f: {  	_ = 	snop  }
0x90: {  	(tm) =	ssettm $0x1  }
0x91: {  	s17 =	sld [smem:$0x3FFB];
	_ =	sdelay $0x3  }
0x92: {  	_ =	strace s17  }
0x93: {  	s2 =	sld [smem:$0x3FFC];
	_ =	sdelay $0x3  }
0x94: {  	_ =	strace s2  }
0x95: {  	s2 =	sld [smem:$0x3FFD];
	_ =	sdelay $0x3  }
0x96: {  	_ =	strace s2  }
0x97: {  	_ =	strace $0x8FFFFFFF  }
0x98: {  	s18 =	sld [smem:$0x3FDB];
	_ =	sdelay $0x1  }
0x99: {  	s19 =	simm.s32 $_scs_section_size  }
0x9a: {  	s4 =	simm.s32 $_size__tile_overlayer_lowered;
	s5 =	simm.s32 $_tile_overlayer_lowered  }
0x9b: {  	s22 =	simm.s32 $0x1BFF;
	s21 =	sshll.u32 s5, $0x1;
	s2 =	sadd.s32 s19, s18  }
0x9c: {  	s6 =	simm.s32 $0x0;
	s20 =	sshll.u32 s4, $0x1;
	s4 =	sadd.s32 s21, s2  }
0x9d: {  	[timem:s6], [sflag:s22] =	dma.local [hbm:s4], s20  }
0x9e: {  	_ =	swait.ge [sflag:s22], s20  }
0x9f: {  	s3 =	ssub.s32 $0x0, s20;
	[sflag:s22] =	ssyncset.done $0x0  }
0xa0: {  	[sflag:s22] =	ssyncadd.s32 s3;
	_ =	sdelay $0x1  }
0xa1: {  	s23 =	simm.s32 $0x1B8B  }
0xa2: {  	_ =	swait.ge [sflag:s23], $0x1  }
0xa3: {  	[sflag:s23] =	ssyncset.done $0x0  }
0xa4: {  	s25 =	simm.s32 $0x1B8E;
	s24 =	sld [smem:$0x3FFE];
	[sflag:s23] =	ssyncadd.s32 $0xFFFFFFFF  }
0xa5: {  	s26 =	simm.s32 $execute0_lowered;
	[smem:$0x3FD2] =	sst s25  }
0xa6: {  	s4 =	sshll.u32 s26, $0x1;
	_ =	strace $0x80000049;
	[dreg:$0x1] =	wrdreg $0xFFFFFFFF  }
0xa7: {  	s28 =	simm.s32 $_size_execute0_lowered;
	s2 =	sadd.s32 s2, s4;
	[dreg:$0x0] =	wrdreg $0x0  }
0xa8: {  	s4 =	sshll.u32 s28, $0x1;
	[dreg:$0x2] =	wrdreg s2  }
0xa9: {  	[dreg:$0x3] =	wrdreg s4  }
0xaa: {  	[dreg:$0x4] =	wrdreg $0xC0  }
0xab: {  	_ =	task [dreg:s6], $0x5FFFF  }
0xac: {  	[dreg:$0x1] =	wrdreg $0xFFFFFFFF  }
0xad: {  	[dreg:$0x0] =	wrdreg $0x60  }
0xae: {  	[dreg:$0x2] =	wrdreg s24  }
0xaf: {  	[dreg:$0x3] =	wrdreg $0x0  }
0xb0: {  	[dreg:$0x4] =	wrdreg $0x9  }
0xb1: {  	_ =	task.clear_ibuf [dreg:s6], $0x5FFFF;
	_ =	strace $0x90000049  }
0xb2: {  	s29 =	simm.s32 $0x9;
	_ =	strace $0x8000004B  }
0xb3: {  	_ =	swait.ge [sflag:s29], $0x1  }
0xb4: {  	[sflag:s29] =	ssyncadd.s32 $0xFFFFFFFF  }
0xb5: {  	_ =	strace $0x9000004B  }
0xb6: {  	_ =	sfence  }
0xb7: {  	s30 =	sld [smem:$0x0];
	_ =	sdelay $0x2  }
0xb8: {  	s31 =	sshll.u32 s1, $0xD;
	s1 =	sshrl.u32 s1, $0x2  }
0xb9: {  	s3 =	sand.u32 $0x4000, s31;
	s1 =	sadd.s32 s1, s30  }
0xba: {  	s0 =	sor.u32 s3, s0;
	s1 =	sshll.u32 s1, $0x11  }
0xbb: {  	s0 =	sor.u32 s1, s0  }
0xbc: {  	s0 =	sadd.s32 $0x8F2B, s0  }
0xbd: {  	[sflag:s0] =	ssyncadd.remote.s32 $0x1  }
0xbe: {  	_ =	sfence.sel $0xFFFF  }
0xbf: {  	[dreg:$0x0] =	wrdreg $0xFFFFFFFF;
	(pc) =	sbr.abs _section_cstart, $3  }
0xc0: {  	[dreg:$0x1] =	wrdreg $0xFFFFFFFF  }
0xc1: {  	_ =	task.clear_ibuf [dreg:s6], $0x2FFFF;
	_ =	strace $0x9FFFFFFF  }
0xc2: {  	(tm) =	ssettm $0x7FFFFFFF  }
0xc3: {  	_ =	shalt  }
tec
execute0_lowered:
.L_overlay_start_1:
0x0: {  	(tag) =	ssettag $0x1  }
0x1: {  	s4 =	rddreg [dreg:$0x0];
	s2 =	stileid.u32  }
0x2: {  	s0 =	srdreg.scid;
	s8 =	smul.u32 $0x2710, s2  }
0x3: {  	s1 =	rddreg [dreg:$0x1];
	s9 =	smul.u32 $0x280, s2  }
0x4: {  	s3 =	simm.s32 $0x0;
	s19 =	simm.s32 $0x14000;
	s22 =	smul.u32 $0x50000, s2  }
0x5: {  	s6 =	sand.u32 $0x1, s0;
	s0 =	rddreg [dreg:$0x2];
	s30 =	smul.u32 $0x27100, s2  }
0x6: {  	[smem:$0x7FF] =	sst s3;
	s13 =	sadd.s32 $0x16C00, s4;
	s5 =	smul.u32 $0x271000, s6  }
0x7: {  	s7 =	smul.u32 $0x27100, s6;
	_ =	strace $0x8000004A;
	s21 =	ssub.s32 $0x2, s6  }
0x8: {  	s18 =	smul.u32 $0x2800, s6;
	s23 =	sshrl.u32 s21, $0x1;
	s24 =	sshrl.u32 s22, $0x2  }
0x9: {  	s10 =	sadd.s32 $0x80, s9;
	s11 =	sadd.s32 $0x100, s9;
	s12 =	sadd.s32 $0x180, s9  }
0xa: {  	s17 =	sadd.s32 $0x200, s9;
	s22 =	simm.s32 $0x0;
	s14 =	sadd.s32 s5, s4  }
0xb: {  	s20 =	sadd.s32 s8, s7;
	s15 =	ssub.s32 s21, s23;
	s25 =	sshll.u32 s10, $0x7  }
0xc: {  	s26 =	sshll.u32 s11, $0x7;
	s28 =	sshll.u32 s12, $0x7;
	s29 =	sshll.u32 s17, $0x7  }
0xd: {  	s9 =	sadd.s32 s9, s18;
	s10 =	sadd.s32 s18, s10;
	s11 =	sadd.s32 s18, s11  }
0xe: {  	s12 =	sadd.s32 s18, s12;
	s17 =	sadd.s32 s18, s17;
	s18 =	simm.s32 $0x1  }
0xf: {  	s21 =	simm.s32 $0x50;
	s5 =	sshrl.u32 s20, $0x3;
	s6 =	sadd.s32 s26, s1  }
0x10: {  	s7 =	sadd.s32 s28, s1;
	s8 =	sadd.s32 s29, s1;
	s9 =	sshll.u32 s9, $0x4  }
0x11: {  	s10 =	sshll.u32 s10, $0x4;
	s11 =	sshll.u32 s11, $0x4;
	s12 =	sshll.u32 s12, $0x4  }
0x12: {  	s17 =	sshll.u32 s17, $0x4;
	s31 =	sadd.s32 s30, s14;
	s14 =	smax.u32 s15, $0x1  }
0x13: {  	s20 =	simm.s32 $0x16800;
	s16 =	sadd.s32 s5, s4;
	s4 =	sadd.s32 s24, s1  }
0x14: {  	s5 =	sadd.s32 s25, s1;
	s9 =	sadd.s32 s13, s9;
	s10 =	sadd.s32 s13, s10  }
0x15: {  	s11 =	sadd.s32 s13, s11;
	s12 =	sadd.s32 s13, s12;
	s13 =	sadd.s32 s13, s17  }
0x16: {  	v0 =	vimm.f32 $0.0e+00;
	s15 =	sadd.s32 $0xA01E00, s31;
	s17 =	simm.s32 $0x16880;
	s16 =	sadd.s32 $0xCE00, s16  }
.LBB2_1:
0x17: {  	s23 =	simm.s32 $0x0;
	s24 =	simm.s32 $0x200  }
.LBB2_2:
0x18: {  	p0 =	sne.s32 s24, $0xFE00;
	[tilespmem:s23+$0x168F0] =	vst v0  }
0x19: {  	[tilespmem:s23+$0x16880] =	vst v0  }
0x1a: {  	[tilespmem:s23+$0x16890] =	vst v0  }
.Ltmp0:
0x1b: {  	[tilespmem:s23+$0x168A0] =	vst v0;
	(pc) =	sbr.rel @p0 .LBB2_2-.Ltmp0, $4  }
0x1c: {  	[tilespmem:s23+$0x168B0] =	vst v0  }
0x1d: {  	[tilespmem:s23+$0x168C0] =	vst v0  }
0x1e: {  	[tilespmem:s23+$0x168D0] =	vst v0  }
0x1f: {  	[tilespmem:s23+$0x168E0] =	vst v0;
	s23 =	sshra.s32 s24, $0x2;
	s24 =	sadd.s32 $0x200, s24  }
0x20: {  	[tilespmem:s23+$0x168F0] =	vst v0  }
0x21: {  	[tilespmem:s23+$0x16880] =	vst v0  }
0x22: {  	[tilespmem:s23+$0x16890] =	vst v0  }
0x23: {  	[tilespmem:s23+$0x168A0] =	vst v0  }
0x24: {  	[tilespmem:s23+$0x168B0] =	vst v0  }
0x25: {  	[tilespmem:s23+$0x168C0] =	vst v0  }
0x26: {  	[tilespmem:s23+$0x168D0] =	vst v0  }
0x27: {  	[tilespmem:s23+$0x168E0] =	vst v0  }
0x28: {  	[spmem:s4] =	stream.linear.scatter [tilespmem:s17], [sflag:$0x1], $0x4000, $0x38;
	[tilespmem:$0x1A880] =	vst v63  }
0x29: {  	_ =	swait.ge [sflag:s18], $0x4000  }
0x2a: {  	[sflag:s18] =	ssyncset.done $0x0  }
0x2b: {  	[sflag:s18] =	ssyncadd.s32 $0xFFFFC000  }
0x2c: {  	[spmem:s5] =	stream.linear.scatter [tilespmem:s17], [sflag:$0x1], $0x4000, $0x38;
	[tilespmem:$0x1A880] =	vst v63  }
0x2d: {  	_ =	swait.ge [sflag:s18], $0x4000  }
0x2e: {  	[sflag:s18] =	ssyncset.done $0x0  }
0x2f: {  	[sflag:s18] =	ssyncadd.s32 $0xFFFFC000  }
0x30: {  	[spmem:s6] =	stream.linear.scatter [tilespmem:s17], [sflag:$0x1], $0x4000, $0x38;
	[tilespmem:$0x1A880] =	vst v63  }
0x31: {  	_ =	swait.ge [sflag:s18], $0x4000  }
0x32: {  	[sflag:s18] =	ssyncset.done $0x0  }
0x33: {  	[sflag:s18] =	ssyncadd.s32 $0xFFFFC000  }
0x34: {  	[spmem:s7] =	stream.linear.scatter [tilespmem:s17], [sflag:$0x1], $0x4000, $0x38;
	[tilespmem:$0x1A880] =	vst v63  }
0x35: {  	_ =	swait.ge [sflag:s18], $0x4000  }
0x36: {  	[sflag:s18] =	ssyncset.done $0x0  }
0x37: {  	[sflag:s18] =	ssyncadd.s32 $0xFFFFC000  }
0x38: {  	[spmem:s8] =	stream.linear.scatter [tilespmem:s17], [sflag:$0x1], $0x4000, $0x38;
	[tilespmem:$0x1A880] =	vst v63  }
0x39: {  	_ =	swait.ge [sflag:s18], $0x4000  }
0x3a: {  	[sflag:s18] =	ssyncset.done $0x0  }
0x3b: {  	[sflag:s18] =	ssyncadd.s32 $0xFFFFC000  }
0x3c: {  	[bflag:$0x0] =	sbarrier.arrive $0xFFFF  }
0x3d: {  	[tilespmem:s19], [sflag:$0x1] =	stream.linear.gather [hbm4b:s15+s3], $0x2800, $0x38;
	[tilespmem:$0x1A880] =	vst v63  }
0x3e: {  	_ =	swait.ge [sflag:s18], $0x2800  }
0x3f: {  	[sflag:s18] =	ssyncset.done $0x0  }
0x40: {  	s31 =	sadd.s32 $0x0, s16;
	[sflag:s18] =	ssyncadd.s32 $0xFFFFD800  }
0x41: {  	[tilespmem:s20], [sflag:$0x1] =	stream.linear.gather [hbm4b:s31+s3], $0x50, $0x38;
	[tilespmem:$0x1A880] =	vst v63  }
0x42: {  	_ =	swait.ge [sflag:s18], $0x50  }
0x43: {  	[sflag:s18] =	ssyncset.done $0x0  }
0x44: {  	[sflag:s18] =	ssyncadd.s32 $0xFFFFFFB0  }
0x45: {  	[spmem:s1] =	stream.indirect.scatter.add.f32 [tilespmem:s19], [sflag:$0x1], $0x80, s20, s21, $0xb8;
	[tilespmem:$0x1A880] =	vst v63  }
0x46: {  	_ =	swait.ge [sflag:s18], $0x2800  }
0x47: {  	s23 =	simm.s32 $0xA;
	s24 =	smov.u32 s15;
	[sflag:s18] =	ssyncset.done $0x0  }
.LBB2_4:
0x48: {  	p0 =	sne.s32 s23, $0x4D8;
	[sflag:s18] =	ssyncadd.s32 $0xFFFFD800;
	s24 =	sadd.s32 $0x500, s24  }
0x49: {  	[tilespmem:s19], [sflag:$0x1] =	stream.linear.gather [hbm4b:s24+s3], $0x2800, $0x38;
	[tilespmem:$0x1A880] =	vst v63  }
0x4a: {  	s25 =	smov.u32 s23;
	s23 =	sadd.s32 $0xA, s23;
	_ =	swait.ge [sflag:s18], $0x2800  }
0x4b: {  	[sflag:s18] =	ssyncset.done $0x0  }
0x4c: {  	s25 =	sadd.s32 s25, s16;
	[sflag:s18] =	ssyncadd.s32 $0xFFFFD800  }
0x4d: {  	[tilespmem:s20], [sflag:$0x1] =	stream.linear.gather [hbm4b:s25+s3], $0x50, $0x38;
	[tilespmem:$0x1A880] =	vst v63  }
0x4e: {  	_ =	swait.ge [sflag:s18], $0x50  }
.Ltmp1:
0x4f: {  	[sflag:s18] =	ssyncset.done $0x0;
	(pc) =	sbr.rel @p0 .LBB2_4-.Ltmp1, $4  }
0x50: {  	[sflag:s18] =	ssyncadd.s32 $0xFFFFFFB0  }
0x51: {  	[spmem:s1] =	stream.indirect.scatter.add.f32 [tilespmem:s19], [sflag:$0x1], $0x80, s20, s21, $0xb8;
	[tilespmem:$0x1A880] =	vst v63  }
0x52: {  	_ =	swait.ge [sflag:s18], $0x2800  }
0x53: {  	[sflag:s18] =	ssyncset.done $0x0  }
0x54: {  	[sflag:s18] =	ssyncadd.s32 $0xFFFFD800  }
0x55: {  	[bflag:$0x0] =	sbarrier.arrive $0xFFFF  }
0x56: {  	[tilespmem:s17], [sflag:$0x1] =	stream.linear.gather [spmem:s4], $0x4000, $0x38;
	[tilespmem:$0x1A880] =	vst v63  }
0x57: {  	_ =	swait.ge [sflag:s18], $0x4000  }
0x58: {  	[sflag:s18] =	ssyncset.done $0x0  }
0x59: {  	[sflag:s18] =	ssyncadd.s32 $0xFFFFC000  }
0x5a: {  	[hbm4b:s9+s3] =	stream.linear.scatter [tilespmem:s17], [sflag:$0x1], $0x4000, $0x38;
	[tilespmem:$0x1A880] =	vst v63  }
0x5b: {  	_ =	swait.ge [sflag:s18], $0x4000  }
0x5c: {  	[sflag:s18] =	ssyncset.done $0x0  }
0x5d: {  	[sflag:s18] =	ssyncadd.s32 $0xFFFFC000  }
0x5e: {  	[tilespmem:s17], [sflag:$0x1] =	stream.linear.gather [spmem:s5], $0x4000, $0x38;
	[tilespmem:$0x1A880] =	vst v63  }
0x5f: {  	_ =	swait.ge [sflag:s18], $0x4000  }
0x60: {  	[sflag:s18] =	ssyncset.done $0x0  }
0x61: {  	[sflag:s18] =	ssyncadd.s32 $0xFFFFC000  }
0x62: {  	[hbm4b:s10+s3] =	stream.linear.scatter [tilespmem:s17], [sflag:$0x1], $0x4000, $0x38;
	[tilespmem:$0x1A880] =	vst v63  }
0x63: {  	_ =	swait.ge [sflag:s18], $0x4000  }
0x64: {  	[sflag:s18] =	ssyncset.done $0x0  }
0x65: {  	[sflag:s18] =	ssyncadd.s32 $0xFFFFC000  }
0x66: {  	[tilespmem:s17], [sflag:$0x1] =	stream.linear.gather [spmem:s6], $0x4000, $0x38;
	[tilespmem:$0x1A880] =	vst v63  }
0x67: {  	_ =	swait.ge [sflag:s18], $0x4000  }
0x68: {  	[sflag:s18] =	ssyncset.done $0x0  }
0x69: {  	[sflag:s18] =	ssyncadd.s32 $0xFFFFC000  }
0x6a: {  	[hbm4b:s11+s3] =	stream.linear.scatter [tilespmem:s17], [sflag:$0x1], $0x4000, $0x38;
	[tilespmem:$0x1A880] =	vst v63  }
0x6b: {  	_ =	swait.ge [sflag:s18], $0x4000  }
0x6c: {  	[sflag:s18] =	ssyncset.done $0x0  }
0x6d: {  	[sflag:s18] =	ssyncadd.s32 $0xFFFFC000  }
0x6e: {  	[tilespmem:s17], [sflag:$0x1] =	stream.linear.gather [spmem:s7], $0x4000, $0x38;
	[tilespmem:$0x1A880] =	vst v63  }
0x6f: {  	_ =	swait.ge [sflag:s18], $0x4000  }
0x70: {  	[sflag:s18] =	ssyncset.done $0x0  }
0x71: {  	[sflag:s18] =	ssyncadd.s32 $0xFFFFC000  }
0x72: {  	[hbm4b:s12+s3] =	stream.linear.scatter [tilespmem:s17], [sflag:$0x1], $0x4000, $0x38;
	[tilespmem:$0x1A880] =	vst v63  }
0x73: {  	_ =	swait.ge [sflag:s18], $0x4000  }
0x74: {  	[sflag:s18] =	ssyncset.done $0x0  }
0x75: {  	[sflag:s18] =	ssyncadd.s32 $0xFFFFC000  }
0x76: {  	[tilespmem:s17], [sflag:$0x1] =	stream.linear.gather [spmem:s8], $0x4000, $0x38;
	[tilespmem:$0x1A880] =	vst v63  }
0x77: {  	s22 =	sadd.s32 $0x1, s22;
	_ =	swait.ge [sflag:s18], $0x4000  }
0x78: {  	p0 =	sne.s32 s22, s14;
	[sflag:s18] =	ssyncset.done $0x0  }
.Ltmp2:
0x79: {  	[sflag:s18] =	ssyncadd.s32 $0xFFFFC000;
	(pc) =	sbr.rel @p0 .LBB2_1-.Ltmp2, $4  }
0x7a: {  	[hbm4b:s13+s3] =	stream.linear.scatter [tilespmem:s17], [sflag:$0x1], $0x4000, $0x38;
	[tilespmem:$0x1A880] =	vst v63  }
0x7b: {  	_ =	swait.ge [sflag:s18], $0x4000  }
0x7c: {  	[sflag:s18] =	ssyncset.done $0x0  }
0x7d: {  	[sflag:s18] =	ssyncadd.s32 $0xFFFFC000  }
0x7e: {  	_ =	sfence.sel $0x180000  }
0x7f: {  	[bflag:$0x0] =	sbarrier.arrive $0xFFFF  }
0x80: {  	p0 =	sne.s32 s2, $0x0;
	_ =	strace $0x9000004A  }
0x81: {  	s0 =	sadd.s32 @!p0 $0x100000, s0;
	[bflag:$0x2] =	sbarrier.arrive $0xFFFF  }
0x82: {  	[sflag:s0] =	ssyncadd.tile.s32 @!p0 $0x1;
	_ =	shalt  }
.Lfunc_end2:
_tile_overlayer_lowered:
.L_overlay_start_2:
0x83: {  	(tag) =	ssettag $0x2  }
0x84: {  	s0 =	rddreg [dreg:$0x0];
	s2 =	stileid.u32  }
0x85: {  	s1 =	rddreg [dreg:$0x1];
	p0 =	sne.s32 s2, $0x0  }
0x86: {  	s3 =	rddreg [dreg:$0x2];
	[bflag:$0x3] =	sbarrier.arrive $0xFFFF;
	s2 =	simm.s32 @!p0 $0x1C01  }
0x87: {  	[timem:s3], [sflag:s2] =	dma.local @!p0 [hbm:s0], s1  }
0x88: {  	s0 =	simm.s32 @!p0 $0x1  }
0x89: {  	_ =	swait.ge @!p0 [sflag:s0], s1  }
0x8a: {  	s1 =	ssub.s32 @!p0 $0x0, s1;
	[sflag:s0] =	ssyncset.done @!p0 $0x0  }
0x8b: {  	[sflag:s0] =	ssyncadd.s32 @!p0 s1  }
0x8c: {  	[bflag:$0x3] =	sbarrier.arrive $0xFFFF  }
0x8d: {  	_ =	shalt  }

// kernel: kernel.7.cloned.1.call-start
scs
__scs_entry_jumppad:
0x0: {  	(pc) =	sbr.rel $0x88, $3  }
0x1: {  	(tag) =	ssettag $0x0;
	lr =	simm.s32 $0x1  }
0x2: {  	[smem:$0x3F8E] =	sst lr;
	_ =	strace $0xD0000000  }
0x3: {  	_ = 	snop  }
0x4: {  	_ = 	snop  }
0x5: {  	_ = 	snop  }
0x6: {  	_ = 	snop  }
0x7: {  	_ = 	snop  }
__scs_overlays_trampoline_lowered:
0x8: {  	[smem:$0x3F9D] =	sst s0  }
0x9: {  	[smem:$0x3F9E] =	sst s1  }
0xa: {  	[smem:$0x3F9F] =	sst s2  }
0xb: {  	[smem:$0x3FA0] =	sst s3  }
0xc: {  	[smem:$0x3FA1] =	sst s4  }
0xd: {  	[smem:$0x3FA2] =	sst s5  }
0xe: {  	[smem:$0x3FA3] =	sst s6  }
0xf: {  	[smem:$0x3FA4] =	sst s7  }
0x10: {  	[smem:$0x3FA5] =	sst s8  }
0x11: {  	[smem:$0x3FA6] =	sst s9;
	s0 =	simm.s32 @!p0 $0x0  }
0x12: {  	s1 =	sld [smem:$0x3F8C];
	s0 =	simm.s32 @p0 $0x1  }
0x13: {  	[smem:$0x3FA7] =	sst s0;
	s0 =	simm.s32 @!p1 $0x0  }
0x14: {  	s2 =	sld [smem:$0x3F8B];
	s0 =	simm.s32 @p1 $0x1  }
0x15: {  	[smem:$0x3FA8] =	sst s0;
	s0 =	simm.s32 @!p2 $0x0  }
0x16: {  	s3 =	sld [smem:$0x3FDB];
	s0 =	simm.s32 @p2 $0x1  }
0x17: {  	s4 =	simm.s32 $0x1BF5;
	[smem:$0x3FAA] =	sst s0  }
0x18: {  	s0 =	sld [smem:$0x3F8D];
	_ =	swait.ge [sflag:s4], $0x0  }
0x19: {  	s7 =	sld [smem:$0x3F8E]  }
0x1a: {  	s8 =	sadd.s32 $0xFFFFE003, lr  }
0x1b: {  	s9 =	sadd.s32 $0xFFFFFEF7, lr;
	s5 =	simm.s32 $0xFFFFFFFF;
	p2 =	slt.u32 s8, $0xFFFFF086  }
0x1c: {  	p1 =	slt.u32 s9, $0xF7A;
	s5 =	simm.s32 @!p2 $0x0  }
0x1d: {  	s5 =	simm.s32 @p1 $0x1;
	p0 =	seq.s32 s7, s2  }
0x1e: {  	s7 =	smul.u32 @!p0 $0xF7A, s2;
	p2 =	seq.s32 @!p0 s5, $0x0  }
0x1f: {  	s9 =	smul.u32 $0xF7A, s1;
	s8 =	simm.s32 @!p0 $0x1BF5;
	p2 =	por !p2, p0  }
0x20: {  	[sflag:s8] =	ssyncset.s32 @!p0 $0xFFFFF086;
	s6 =	sadd.s32 @!p0 s3, s7;
	s7 =	simm.s32 @!p0 $0x108  }
0x21: {  	s3 =	sadd.s32 s3, s9;
	s6 =	sadd.s32 @!p0 $0x88, s6;
	s7 =	simm.s32 @p2 $0x1082  }
0x22: {  	[simem:s7], [sflag:s8] =	dma.local @!p0 [hbm:s6], $0xF7A  }
0x23: {  	s9 =	sor.u32 $0xD0000000, s2;
	s6 =	simm.s32 $0x108;
	_ =	swait.ge @!p0 [sflag:s8], $0x0  }
0x24: {  	s3 =	sadd.s32 $0x88, s3;
	s6 =	simm.s32 @!p1 $0x1082;
	[sflag:s4] =	ssyncset.s32 $0xFFFFF086  }
0x25: {  	[simem:s6], [sflag:s4] =	dma.local [hbm:s3], $0xF7A  }
0x26: {  	[smem:$0x3F8E] =	sst s1;
	(tag) =	ssettag s2;
	_ =	strace s9  }
0x27: {  	s1 =	sld [smem:$0x3F9E]  }
0x28: {  	s2 =	sld [smem:$0x3F9F]  }
0x29: {  	s4 =	sld [smem:$0x3FA1]  }
0x2a: {  	p0 =	seq.s32 s5, $0x0;
	s5 =	sld [smem:$0x3FA2]  }
0x2b: {  	s6 =	sld [smem:$0x3FA3]  }
0x2c: {  	s7 =	sld [smem:$0x3FA4]  }
0x2d: {  	s3 =	simm.s32 $0x108;
	s8 =	sld [smem:$0x3FA5]  }
0x2e: {  	s3 =	simm.s32 @!p0 $0x1082;
	s9 =	sld [smem:$0x3FA6]  }
0x2f: {  	lr =	sadd.s32 s0, s3;
	s0 =	sld [smem:$0x3F9D]  }
0x30: {  	s3 =	sld [smem:$0x3FA0]  }
0x31: {  	[smem:$0x3FA9] =	sst s10  }
0x32: {  	s10 =	sld [smem:$0x3FA7];
	_ =	sdelay $0x3  }
0x33: {  	p0 =	seq.s32 s10, $0x1;
	s10 =	sld [smem:$0x3FA9];
	_ =	sdelay $0x3  }
0x34: {  	[smem:$0x3FA9] =	sst s10  }
0x35: {  	s10 =	sld [smem:$0x3FA8];
	_ =	sdelay $0x3  }
0x36: {  	p1 =	seq.s32 s10, $0x1;
	s10 =	sld [smem:$0x3FA9];
	_ =	sdelay $0x3  }
0x37: {  	[smem:$0x3FA9] =	sst s10  }
0x38: {  	s10 =	sld [smem:$0x3FAA]  }
0x39: {  	_ = 	snop;
	(pc) =	sbr.ind lr, $3  }
0x3a: {  	_ = 	snop  }
0x3b: {  	_ = 	snop  }
0x3c: {  	p2 =	seq.s32 s10, $0x1;
	s10 =	sld [smem:$0x3FA9]  }
0x3d: {  	_ =	shalt  }
0x3e: {  	_ =	shalt  }
0x3f: {  	_ =	shalt  }
0x40: {  	_ =	shalt  }
0x41: {  	_ =	shalt  }
0x42: {  	_ =	shalt  }
0x43: {  	_ =	shalt  }
0x44: {  	_ =	shalt  }
0x45: {  	_ =	shalt  }
0x46: {  	_ =	shalt  }
0x47: {  	_ =	shalt  }
0x48: {  	_ =	shalt  }
0x49: {  	_ =	shalt  }
0x4a: {  	_ =	shalt  }
0x4b: {  	_ =	shalt  }
0x4c: {  	_ =	shalt  }
0x4d: {  	_ =	shalt  }
0x4e: {  	_ =	shalt  }
0x4f: {  	_ =	shalt  }
0x50: {  	_ =	shalt  }
0x51: {  	_ =	shalt  }
0x52: {  	_ =	shalt  }
0x53: {  	_ =	shalt  }
0x54: {  	_ =	shalt  }
0x55: {  	_ =	shalt  }
0x56: {  	_ =	shalt  }
0x57: {  	_ =	shalt  }
0x58: {  	_ =	shalt  }
0x59: {  	_ =	shalt  }
0x5a: {  	_ =	shalt  }
0x5b: {  	_ =	shalt  }
0x5c: {  	_ =	shalt  }
0x5d: {  	_ =	shalt  }
0x5e: {  	_ =	shalt  }
0x5f: {  	_ =	shalt  }
0x60: {  	_ =	shalt  }
0x61: {  	_ =	shalt  }
0x62: {  	_ =	shalt  }
0x63: {  	_ =	shalt  }
0x64: {  	_ =	shalt  }
0x65: {  	_ =	shalt  }
0x66: {  	_ =	shalt  }
0x67: {  	_ =	shalt  }
0x68: {  	_ =	shalt  }
0x69: {  	_ =	shalt  }
0x6a: {  	_ =	shalt  }
0x6b: {  	_ =	shalt  }
0x6c: {  	_ =	shalt  }
0x6d: {  	_ =	shalt  }
0x6e: {  	_ =	shalt  }
0x6f: {  	_ =	shalt  }
0x70: {  	_ =	shalt  }
0x71: {  	_ =	shalt  }
0x72: {  	_ =	shalt  }
0x73: {  	_ =	shalt  }
0x74: {  	_ =	shalt  }
0x75: {  	_ =	shalt  }
0x76: {  	_ =	shalt  }
0x77: {  	_ =	shalt  }
0x78: {  	_ =	shalt  }
0x79: {  	_ =	shalt  }
0x7a: {  	_ =	shalt  }
0x7b: {  	_ =	shalt  }
0x7c: {  	_ =	shalt  }
0x7d: {  	_ =	shalt  }
0x7e: {  	_ =	shalt  }
0x7f: {  	_ =	shalt  }
0x80: {  	_ =	shalt  }
0x81: {  	_ =	shalt  }
0x82: {  	_ =	shalt  }
0x83: {  	_ =	shalt  }
0x84: {  	_ =	shalt  }
0x85: {  	_ =	shalt  }
0x86: {  	_ =	shalt  }
0x87: {  	_ =	shalt  }
.Lfunc_end0:
.L_simem_size_0:
called_computation_lowered:
.L_overlay_start_0:
0x88: {  	s2 =	sld [smem:$0x3FD9]  }
0x89: {  	s3 =	sld [smem:$0x3FFE];
	_ =	sdelay $0x1  }
0x8a: {  	s1 =	srdreg.scid  }
0x8b: {  	s0 =	sand.u32 $0x1, s1  }
0x8c: {  	s17 =	sshll.u32 s0, $0xA;
	s2 =	sadd.s32 s3, s2  }
0x8d: {  	s2 =	sadd.s32 s2, s17  }
0x8e: {  	[smem:$0x3FB5] =	sst s2  }
0x8f: {  	_ = 	snop  }
0x90: {  	s2 =	sld [smem:$0x3FD0];
	(tm) =	ssettm $0x1  }
0x91: {  	s18 =	sld [smem:$0x3FFB];
	_ =	sdelay $0x3  }
0x92: {  	_ =	strace s18  }
0x93: {  	s3 =	sld [smem:$0x3FFC];
	_ =	sdelay $0x3  }
0x94: {  	_ =	strace s3  }
0x95: {  	s3 =	sld [smem:$0x3FFD];
	_ =	sdelay $0x3  }
0x96: {  	_ =	strace s3  }
0x97: {  	_ =	strace $0x8FFFFFFF  }
0x98: {  	s19 =	sld [smem:$0x3FDB];
	_ =	sdelay $0x1  }
0x99: {  	s4 =	simm.s32 $_scs_section_size  }
0x9a: {  	s5 =	simm.s32 $_size__tile_overlayer_lowered;
	s6 =	simm.s32 $_tile_overlayer_lowered  }
0x9b: {  	s22 =	simm.s32 $0x1BFF;
	s21 =	sshll.u32 s6, $0x1;
	s3 =	sadd.s32 s4, s19  }
0x9c: {  	s7 =	simm.s32 $0x0;
	s20 =	sshll.u32 s5, $0x1;
	s5 =	sadd.s32 s21, s3  }
0x9d: {  	[timem:s7], [sflag:s22] =	dma.local [hbm:s5], s20  }
0x9e: {  	_ =	swait.ge [sflag:s22], s20  }
0x9f: {  	s4 =	ssub.s32 $0x0, s20;
	[sflag:s22] =	ssyncset.done $0x0  }
0xa0: {  	[sflag:s22] =	ssyncadd.s32 s4;
	_ =	sdelay $0x1  }
0xa1: {  	s23 =	simm.s32 $0x1B8B  }
0xa2: {  	_ =	swait.ge [sflag:s23], $0x1  }
0xa3: {  	[sflag:s23] =	ssyncset.done $0x0  }
0xa4: {  	s25 =	simm.s32 $0x1B8E;
	s24 =	sld [smem:$0x3FFE];
	[sflag:s23] =	ssyncadd.s32 $0xFFFFFFFF  }
0xa5: {  	s26 =	simm.s32 $execute0_lowered;
	[smem:$0x3FD2] =	sst s25  }
0xa6: {  	s5 =	sshll.u32 s26, $0x1;
	_ =	strace $0x80000046;
	[dreg:$0x1] =	wrdreg $0xFFFFFFFF  }
0xa7: {  	s28 =	simm.s32 $_size_execute0_lowered;
	s3 =	sadd.s32 s3, s5;
	[dreg:$0x0] =	wrdreg $0x0  }
0xa8: {  	s5 =	sshll.u32 s28, $0x1;
	[dreg:$0x2] =	wrdreg s3  }
0xa9: {  	[dreg:$0x3] =	wrdreg s5  }
0xaa: {  	[dreg:$0x4] =	wrdreg $0xC0  }
0xab: {  	_ =	task [dreg:s7], $0x5FFFF  }
0xac: {  	[dreg:$0x1] =	wrdreg $0xFFFFFFFF  }
0xad: {  	[dreg:$0x0] =	wrdreg $0x60  }
0xae: {  	[dreg:$0x2] =	wrdreg s2  }
0xaf: {  	[dreg:$0x3] =	wrdreg s24  }
0xb0: {  	[dreg:$0x4] =	wrdreg $0x9  }
0xb1: {  	_ =	task.clear_ibuf [dreg:s7], $0x5FFFF;
	_ =	strace $0x90000046  }
0xb2: {  	s29 =	simm.s32 $0x9;
	_ =	strace $0x80000048  }
0xb3: {  	_ =	swait.ge [sflag:s29], $0x1  }
0xb4: {  	[sflag:s29] =	ssyncadd.s32 $0xFFFFFFFF  }
0xb5: {  	_ =	strace $0x90000048  }
0xb6: {  	_ =	sfence  }
0xb7: {  	s30 =	sld [smem:$0x0];
	_ =	sdelay $0x2  }
0xb8: {  	s31 =	sshll.u32 s1, $0xD;
	s1 =	sshrl.u32 s1, $0x2  }
0xb9: {  	s3 =	sand.u32 $0x4000, s31;
	s1 =	sadd.s32 s1, s30  }
0xba: {  	s0 =	sor.u32 s3, s0;
	s1 =	sshll.u32 s1, $0x11  }
0xbb: {  	s0 =	sor.u32 s1, s0  }
0xbc: {  	s0 =	sadd.s32 $0x8F2B, s0  }
0xbd: {  	[sflag:s0] =	ssyncadd.remote.s32 $0x1  }
0xbe: {  	_ =	sfence.sel $0xFFFF  }
0xbf: {  	[dreg:$0x0] =	wrdreg $0xFFFFFFFF;
	(pc) =	sbr.abs _section_cstart, $3  }
0xc0: {  	[dreg:$0x1] =	wrdreg $0xFFFFFFFF  }
0xc1: {  	_ =	task.clear_ibuf [dreg:s7], $0x2FFFF;
	_ =	strace $0x9FFFFFFF  }
0xc2: {  	(tm) =	ssettm $0x7FFFFFFF  }
0xc3: {  	_ =	shalt  }
tec
execute0_lowered:
.L_overlay_start_1:
0x0: {  	(tag) =	ssettag $0x1  }
0x1: {  	s1 =	rddreg [dreg:$0x0]  }
0x2: {  	s5 =	rddreg [dreg:$0x1]  }
0x3: {  	s0 =	rddreg [dreg:$0x2];
	s3 =	simm.s32 $0x0;
	s4 =	srdreg.scid  }
0x4: {  	s2 =	stileid.u32;
	s11 =	simm.s32 $0x80;
	s12 =	simm.s32 $0x50  }
0x5: {  	s13 =	simm.s32 $0x100;
	s14 =	simm.s32 $0x2900;
	s15 =	simm.s32 $0x1  }
0x6: {  	s16 =	simm.s32 $0x2;
	s17 =	simm.s32 $0x0;
	s7 =	smul.u32 $0x4E20, s2  }
0x7: {  	[smem:$0x7FF] =	sst s3;
	s6 =	sand.u32 $0x1, s4;
	s9 =	smul.u32 $0x4E200, s2  }
0x8: {  	s4 =	sadd.s32 $0x16C00, s5;
	s8 =	smul.u32 $0x2710, s6;
	s10 =	ssub.s32 $0x2, s6  }
0x9: {  	_ =	strace $0x80000047;
	s6 =	smul.u32 $0x27100, s6;
	s29 =	sshrl.u32 s10, $0x1  }
0xa: {  	s9 =	sadd.s32 s9, s5;
	s7 =	sadd.s32 s8, s7;
	s8 =	ssub.s32 s10, s29  }
0xb: {  	s31 =	sadd.s32 s6, s9;
	s10 =	simm.s32 $0x3;
	s7 =	sshrl.u32 s7, $0x3  }
0xc: {  	s6 =	sadd.s32 $0x3DE00, s31;
	s30 =	sadd.s32 s7, s5;
	s5 =	smax.u32 s8, $0x1  }
0xd: {  	s7 =	sadd.s32 $0x51FE00, s31;
	s8 =	sadd.s32 $0xCE00, s30;
	s9 =	sadd.s32 $0x3000, s30  }
.LBB2_1:
0xe: {  	s18 =	sadd.s32 $0x0, s9  }
0xf: {  	[tilespmem:s3], [sflag:$0x3] =	stream.linear.gather [hbm4b:s18+s3], $0x50, $0x38;
	[tilespmem:$0x5100] =	vst v63  }
0x10: {  	_ =	swait.ge [sflag:s10], $0x50  }
0x11: {  	[sflag:s10] =	ssyncset.done $0x0  }
0x12: {  	s31 =	sadd.s32 $0x0, s8;
	[sflag:s10] =	ssyncadd.s32 $0xFFFFFFB0  }
0x13: {  	[tilespmem:s11], [sflag:$0x3] =	stream.linear.gather [hbm4b:s31+s3], $0x50, $0x38;
	[tilespmem:$0x5100] =	vst v63  }
0x14: {  	_ =	swait.ge [sflag:s10], $0x50  }
0x15: {  	[sflag:s10] =	ssyncset.done $0x0  }
0x16: {  	[sflag:s10] =	ssyncadd.s32 $0xFFFFFFB0  }
0x17: {  	[tilespmem:s13], [sflag:$0x1] =	stream.indirect.gather [hbm4b:s1+s12], $0x80, s3, s12, $0xb8;
	[tilespmem:$0x5100] =	vst v63  }
0x18: {  	_ = 	snop  }
0x19: {  	[tilespmem:s14], [sflag:$0x2] =	stream.indirect.gather [hbm4b:s4+s12], $0x80, s11, s12, $0xb8;
	[tilespmem:$0x5100] =	vst v63  }
0x1a: {  	_ =	swait.ge [sflag:s15], $0x2800  }
0x1b: {  	[sflag:s15] =	ssyncset.done $0x0  }
0x1c: {  	[sflag:s15] =	ssyncadd.s32 $0xFFFFD800  }
0x1d: {  	_ =	swait.ge [sflag:s16], $0x2800  }
0x1e: {  	[sflag:s16] =	ssyncset.done $0x0  }
0x1f: {  	[sflag:s16] =	ssyncadd.s32 $0xFFFFD800  }
0x20: {  	[hbm4b:s6+s3] =	stream.linear.scatter [tilespmem:s13], [sflag:$0x3], $0x2800, $0x38;
	[tilespmem:$0x5100] =	vst v63  }
0x21: {  	_ =	swait.ge [sflag:s10], $0x2800  }
0x22: {  	[sflag:s10] =	ssyncset.done $0x0  }
0x23: {  	[sflag:s10] =	ssyncadd.s32 $0xFFFFD800  }
0x24: {  	[hbm4b:s7+s3] =	stream.linear.scatter [tilespmem:s14], [sflag:$0x3], $0x2800, $0x38;
	[tilespmem:$0x5100] =	vst v63  }
0x25: {  	s20 =	simm.s32 $0xA;
	s21 =	simm.s32 $0x14;
	_ =	swait.ge [sflag:s10], $0x2800  }
0x26: {  	s19 =	sadd.s32 $0x500, s6;
	s18 =	sadd.s32 $0x500, s7;
	[sflag:s10] =	ssyncset.done $0x0  }
.LBB2_2:
0x27: {  	s22 =	sadd.s32 s20, s9  }
0x28: {  	[sflag:s10] =	ssyncadd.s32 $0xFFFFD800;
	s23 =	smov.u32 s21;
	s24 =	sadd.s32 $0xA, s21  }
0x29: {  	[tilespmem:s3], [sflag:$0x3] =	stream.linear.gather [hbm4b:s22+s3], $0x50, $0x38;
	[tilespmem:$0x5100] =	vst v63  }
0x2a: {  	p0 =	sne.s32 s21, $0x4D8;
	_ =	swait.ge [sflag:s10], $0x50  }
0x2b: {  	[sflag:s10] =	ssyncset.done $0x0  }
0x2c: {  	s21 =	sadd.s32 s20, s8;
	s20 =	smov.u32 s23;
	[sflag:s10] =	ssyncadd.s32 $0xFFFFFFB0  }
0x2d: {  	[tilespmem:s11], [sflag:$0x3] =	stream.linear.gather [hbm4b:s21+s3], $0x50, $0x38;
	[tilespmem:$0x5100] =	vst v63  }
0x2e: {  	_ =	swait.ge [sflag:s10], $0x50  }
0x2f: {  	[sflag:s10] =	ssyncset.done $0x0  }
0x30: {  	[sflag:s10] =	ssyncadd.s32 $0xFFFFFFB0  }
0x31: {  	[tilespmem:s13], [sflag:$0x1] =	stream.indirect.gather [hbm4b:s1+s12], $0x80, s3, s12, $0xb8;
	[tilespmem:$0x5100] =	vst v63  }
0x32: {  	_ = 	snop  }
0x33: {  	[tilespmem:s14], [sflag:$0x2] =	stream.indirect.gather [hbm4b:s4+s12], $0x80, s11, s12, $0xb8;
	[tilespmem:$0x5100] =	vst v63  }
0x34: {  	_ =	swait.ge [sflag:s15], $0x2800  }
0x35: {  	[sflag:s15] =	ssyncset.done $0x0  }
0x36: {  	[sflag:s15] =	ssyncadd.s32 $0xFFFFD800  }
0x37: {  	_ =	swait.ge [sflag:s16], $0x2800  }
0x38: {  	[sflag:s16] =	ssyncset.done $0x0  }
0x39: {  	[sflag:s16] =	ssyncadd.s32 $0xFFFFD800  }
0x3a: {  	[hbm4b:s19+s3] =	stream.linear.scatter [tilespmem:s13], [sflag:$0x3], $0x2800, $0x38;
	[tilespmem:$0x5100] =	vst v63  }
0x3b: {  	_ =	swait.ge [sflag:s10], $0x2800  }
.Ltmp0:
0x3c: {  	[sflag:s10] =	ssyncset.done $0x0;
	(pc) =	sbr.rel @p0 .LBB2_2-.Ltmp0, $4  }
0x3d: {  	[sflag:s10] =	ssyncadd.s32 $0xFFFFD800  }
0x3e: {  	[hbm4b:s18+s3] =	stream.linear.scatter [tilespmem:s14], [sflag:$0x3], $0x2800, $0x38;
	[tilespmem:$0x5100] =	vst v63  }
0x3f: {  	s21 =	smov.u32 s24;
	_ =	swait.ge [sflag:s10], $0x2800  }
0x40: {  	s19 =	sadd.s32 $0x500, s19;
	s18 =	sadd.s32 $0x500, s18;
	[sflag:s10] =	ssyncset.done $0x0  }
0x41: {  	s21 =	sadd.s32 s20, s9;
	[sflag:s10] =	ssyncadd.s32 $0xFFFFD800  }
0x42: {  	[tilespmem:s3], [sflag:$0x3] =	stream.linear.gather [hbm4b:s21+s3], $0x50, $0x38;
	[tilespmem:$0x5100] =	vst v63  }
0x43: {  	_ =	swait.ge [sflag:s10], $0x50  }
0x44: {  	[sflag:s10] =	ssyncset.done $0x0  }
0x45: {  	s31 =	sadd.s32 s20, s8;
	[sflag:s10] =	ssyncadd.s32 $0xFFFFFFB0  }
0x46: {  	[tilespmem:s11], [sflag:$0x3] =	stream.linear.gather [hbm4b:s31+s3], $0x50, $0x38;
	[tilespmem:$0x5100] =	vst v63  }
0x47: {  	_ =	swait.ge [sflag:s10], $0x50  }
0x48: {  	[sflag:s10] =	ssyncset.done $0x0  }
0x49: {  	[sflag:s10] =	ssyncadd.s32 $0xFFFFFFB0  }
0x4a: {  	[tilespmem:s13], [sflag:$0x1] =	stream.indirect.gather [hbm4b:s1+s12], $0x80, s3, s12, $0xb8;
	[tilespmem:$0x5100] =	vst v63  }
0x4b: {  	_ = 	snop  }
0x4c: {  	[tilespmem:s14], [sflag:$0x2] =	stream.indirect.gather [hbm4b:s4+s12], $0x80, s11, s12, $0xb8;
	[tilespmem:$0x5100] =	vst v63  }
0x4d: {  	_ =	swait.ge [sflag:s15], $0x2800  }
0x4e: {  	[sflag:s15] =	ssyncset.done $0x0  }
0x4f: {  	[sflag:s15] =	ssyncadd.s32 $0xFFFFD800  }
0x50: {  	_ =	swait.ge [sflag:s16], $0x2800  }
0x51: {  	[sflag:s16] =	ssyncset.done $0x0  }
0x52: {  	[sflag:s16] =	ssyncadd.s32 $0xFFFFD800  }
0x53: {  	[hbm4b:s19+s3] =	stream.linear.scatter [tilespmem:s13], [sflag:$0x3], $0x2800, $0x38;
	[tilespmem:$0x5100] =	vst v63  }
0x54: {  	s17 =	sadd.s32 $0x1, s17;
	_ =	swait.ge [sflag:s10], $0x2800  }
0x55: {  	p0 =	sne.s32 s17, s5;
	[sflag:s10] =	ssyncset.done $0x0  }
.Ltmp1:
0x56: {  	[sflag:s10] =	ssyncadd.s32 $0xFFFFD800;
	(pc) =	sbr.rel @p0 .LBB2_1-.Ltmp1, $4  }
0x57: {  	[hbm4b:s18+s3] =	stream.linear.scatter [tilespmem:s14], [sflag:$0x3], $0x2800, $0x38;
	[tilespmem:$0x5100] =	vst v63  }
0x58: {  	_ =	swait.ge [sflag:s10], $0x2800  }
0x59: {  	[sflag:s10] =	ssyncset.done $0x0  }
0x5a: {  	[sflag:s10] =	ssyncadd.s32 $0xFFFFD800  }
0x5b: {  	_ =	sfence.sel $0x180000  }
0x5c: {  	[bflag:$0x0] =	sbarrier.arrive $0xFFFF  }
0x5d: {  	p0 =	sne.s32 s2, $0x0;
	_ =	strace $0x90000047  }
0x5e: {  	s0 =	sadd.s32 @!p0 $0x100000, s0;
	[bflag:$0x2] =	sbarrier.arrive $0xFFFF  }
0x5f: {  	[sflag:s0] =	ssyncadd.tile.s32 @!p0 $0x1;
	_ =	shalt  }
.Lfunc_end2:
_tile_overlayer_lowered:
.L_overlay_start_2:
0x60: {  	(tag) =	ssettag $0x2  }
0x61: {  	s0 =	rddreg [dreg:$0x0];
	s2 =	stileid.u32  }
0x62: {  	s1 =	rddreg [dreg:$0x1];
	p0 =	sne.s32 s2, $0x0  }
0x63: {  	s3 =	rddreg [dreg:$0x2];
	[bflag:$0x3] =	sbarrier.arrive $0xFFFF;
	s2 =	simm.s32 @!p0 $0x1C03  }
0x64: {  	[timem:s3], [sflag:s2] =	dma.local @!p0 [hbm:s0], s1  }
0x65: {  	s0 =	simm.s32 @!p0 $0x3  }
0x66: {  	_ =	swait.ge @!p0 [sflag:s0], s1  }
0x67: {  	s1 =	ssub.s32 @!p0 $0x0, s1;
	[sflag:s0] =	ssyncset.done @!p0 $0x0  }
0x68: {  	[sflag:s0] =	ssyncadd.s32 @!p0 s1  }
0x69: {  	[bflag:$0x3] =	sbarrier.arrive $0xFFFF  }
0x6a: {  	_ =	shalt  }

</sc_bundles>
